<compile_context>
chip_gen: v7x
topology: tpu7x:2x2x1
jax: 0.10.2.dev20260603
libtpu: 0.0.44.dev20260713+nightly
codegen_flags: <defaults>
</compile_context>

<pallas_src>
import functools

import jax
import jax.numpy as jnp
from jax import lax
from jax.experimental import pallas as pl
from jax.experimental.pallas import tpu as pltpu
from jax.experimental.pallas import tpu_sc as plsc

N = 10000
E = 320000
F = 128
HID = 64
CLS = 32

NC = 2
NS = 16
NW = NC * NS
EPW = E // NW
B1 = 250
K1 = EPW // B1
B2 = 500
K2 = EPW // B2
NPAD = 10240
PAD = NPAD - N
R = NPAD // NS
DEGW = 16

_MESH = plsc.VectorSubcoreMesh(core_axis_name="c", subcore_axis_name="s")
_SC_PARAMS = pltpu.CompilerParams(use_tc_tiling_on_sc=False)



@functools.partial(
    pl.kernel,
    out_type=jax.ShapeDtypeStruct((NC, NPAD), jnp.float32),
    mesh=_MESH,
    compiler_params=_SC_PARAMS,
    scratch_types=[
        pltpu.VMEM((K2, B2), jnp.int32),
        pltpu.VMEM((512,), jnp.float32),
        pltpu.VMEM((R,), jnp.float32),
        pltpu.VMEM_SHARED((NPAD,), jnp.float32),
    ],
)
def _deg_kernel(dst_hbm, out_hbm, dst_v, ones_v, bounce_v, acc_sh):
    c = lax.axis_index("c")
    s = lax.axis_index("s")
    wid = c * NS + s

    def fill(i, carry):
        ones_v[pl.ds(i * 16, 16)] = jnp.ones((16,), jnp.float32)
        return carry

    lax.fori_loop(0, 32, fill, 0)

    def seed(j, carry):
        pltpu.sync_copy(ones_v.at[pl.ds(0, 128)],
                        acc_sh.at[pl.ds(s * R + j * 128, 128)])
        return carry

    lax.fori_loop(0, R // 128, seed, 0)
    pltpu.sync_copy(dst_hbm.at[wid], dst_v)
    plsc.subcore_barrier()

    def body(j, carry):
        pltpu.sync_copy(ones_v.at[pl.ds(0, B2)], acc_sh.at[dst_v.at[j]],
                        add=True)
        return carry

    lax.fori_loop(0, K2, body, 0)
    plsc.subcore_barrier()
    pltpu.sync_copy(acc_sh.at[pl.ds(s * R, R)],
                    out_hbm.at[c].at[pl.ds(s * R, R)])


NB = 2


def _make_agg(D, B, K):
    @functools.partial(
        pl.kernel,
        out_type=jax.ShapeDtypeStruct((NC, NPAD, D), jnp.float32),
        mesh=_MESH,
        compiler_params=_SC_PARAMS,
        scratch_types=[
            pltpu.VMEM((K, B), jnp.int32),
            pltpu.VMEM((K, B), jnp.int32),
            [pltpu.VMEM((B, D), jnp.float32)] * NB,
            pltpu.VMEM((R, D), jnp.float32),
            pltpu.VMEM_SHARED((NPAD, D), jnp.float32),
            [pltpu.SemaphoreType.DMA] * NB,
        ],
    )
    def agg(g_hbm, src_hbm, dst_hbm, out_hbm, src_v, dst_v, rows, bounce_v,
            acc_sh, sems):
        c = lax.axis_index("c")
        s = lax.axis_index("s")
        wid = c * NS + s
        pltpu.sync_copy(g_hbm.at[pl.ds(s * R, R)], acc_sh.at[pl.ds(s * R, R)])
        pltpu.sync_copy(src_hbm.at[wid], src_v)
        pltpu.sync_copy(dst_hbm.at[wid], dst_v)
        plsc.subcore_barrier()

        for b in range(NB):
            pltpu.async_copy(g_hbm.at[src_v.at[b]], rows[b], sems[b])

        def body(i, carry):
            for b in range(NB):
                j = NB * i + b
                pltpu.make_async_copy(g_hbm.at[src_v.at[j]], rows[b],
                                      sems[b]).wait()
                pltpu.sync_copy(rows[b], acc_sh.at[dst_v.at[j]], add=True)
                jn = jnp.minimum(j + NB, K - 1)
                pltpu.async_copy(g_hbm.at[src_v.at[jn]], rows[b], sems[b])
            return carry

        lax.fori_loop(0, K // NB, body, 0)
        for b in range(NB):
            pltpu.make_async_copy(g_hbm.at[src_v.at[K - 1]], rows[b],
                                  sems[b]).wait()
        plsc.subcore_barrier()
        pltpu.sync_copy(acc_sh.at[pl.ds(s * R, R)],
                        out_hbm.at[c].at[pl.ds(s * R, R)])

    return agg


_agg_h = _make_agg(HID, B1, K1)
_agg_c = _make_agg(CLS, B2, K2)



def _tc1_body(x_ref, w1_ref, degp_ref, g1_ref, dinv_ref):
    deg = degp_ref[0, 0:N] + degp_ref[1, 0:N] - 1.0
    dinv = jax.lax.rsqrt(deg)[:, None]
    h = jnp.dot(x_ref[...], w1_ref[...], preferred_element_type=jnp.float32)
    g1_ref[0:N, :] = h * dinv
    dinv_ref[...] = dinv


def _tc2_body(p_ref, g1_ref, dinv_ref, w2_ref, b1_ref, g2_ref):
    agg = p_ref[0, 0:N, :] + p_ref[1, 0:N, :] - g1_ref[0:N, :]
    h1 = jnp.maximum(agg * dinv_ref[...] + b1_ref[...], 0.0)
    g2 = jnp.dot(h1, w2_ref[...], preferred_element_type=jnp.float32)
    g2_ref[0:N, :] = g2 * dinv_ref[...]


def _tc3_body(q_ref, g2_ref, dinv_ref, b2_ref, out_ref):
    out_ref[...] = (q_ref[0, 0:N, :] + q_ref[1, 0:N, :] - g2_ref[0:N, :]) \
        * dinv_ref[...] + b2_ref[...]


_tc1 = pl.pallas_call(
    _tc1_body,
    out_shape=(
        jax.ShapeDtypeStruct((NPAD, HID), jnp.float32),
        jax.ShapeDtypeStruct((N, 1), jnp.float32),
    ),
)

_tc2 = pl.pallas_call(
    _tc2_body,
    out_shape=jax.ShapeDtypeStruct((NPAD, CLS), jnp.float32),
)

_tc3 = pl.pallas_call(
    _tc3_body,
    out_shape=jax.ShapeDtypeStruct((N, CLS), jnp.float32),
)



@jax.jit
def kernel(x, edges, W1, b1, W2, b2):
    src = edges[0].astype(jnp.int32)
    dst = edges[1].astype(jnp.int32)
    src1 = src.reshape(NW, K1, B1)
    dst1 = dst.reshape(NW, K1, B1)
    src2 = src.reshape(NW, K2, B2)
    dst2 = dst.reshape(NW, K2, B2)
    degp = _deg_kernel(dst2)
    g1p, dinv = _tc1(x, W1, degp)
    p = _agg_h(g1p, src1, dst1)
    g2p = _tc2(p, g1p, dinv, W2, b1.reshape(1, HID))
    q = _agg_c(g2p, src2, dst2)
    return _tc3(q, g2p, dinv, b2.reshape(1, CLS))

# --- scband reference (transcript-rebuilt; emitter-appended) ---
"""Pipeline reference for scband-gcn-7885559956092 (READ-ONLY COPY).

The authoritative reference and input builder live on the scoring server;
editing this copy changes nothing except your own understanding.
"""

import jax, jax.numpy as jnp
import numpy as np

N_NODES = 10000
N_EDGES = 320000
FEATS = 128
HIDDEN = 64
CLASSES = 32


def setup_inputs(seed: int = 0) -> dict:
    key = jax.random.key(seed)
    k_x, k_e, k_w1, k_b1, k_w2, k_b2 = jax.random.split(key, 6)
    x = jax.random.normal(k_x, (N_NODES, FEATS), dtype=jnp.float32)
    edges = jax.random.randint(k_e, (2, N_EDGES), 0, N_NODES, dtype=jnp.int64)
    W1 = jax.random.normal(k_w1, (FEATS, HIDDEN), dtype=jnp.float32) * 0.05
    b1 = jnp.zeros((HIDDEN,), dtype=jnp.float32)
    W2 = jax.random.normal(k_w2, (HIDDEN, CLASSES), dtype=jnp.float32) * 0.05
    b2 = jnp.zeros((CLASSES,), dtype=jnp.float32)
    return {"x": x, "edges": edges, "W1": W1, "b1": b1, "W2": W2, "b2": b2}


def _gcn_conv(x, src, dst, W, b, n_nodes):
    # GCNConv: x' = D^{-1/2} (A + I) D^{-1/2} X W + b  (self-loops already in src/dst)
    h = x @ W
    ones = jnp.ones((src.shape[0],), dtype=h.dtype)
    deg = jnp.zeros((n_nodes,), dtype=h.dtype).at[dst].add(ones)
    dinv = jnp.where(deg > 0, 1.0 / jnp.sqrt(deg), 0.0)
    norm = dinv[src] * dinv[dst]
    msg = h[src] * norm[:, None]
    out = jnp.zeros((n_nodes, W.shape[1]), dtype=h.dtype).at[dst].add(msg)
    return out + b


def reference(x, edges, W1, b1, W2, b2):
    # eval mode: F.dropout is identity
    loop = jnp.arange(N_NODES, dtype=edges.dtype)
    src = jnp.concatenate([edges[0], loop])
    dst = jnp.concatenate([edges[1], loop])
    h = jax.nn.relu(_gcn_conv(x, src, dst, W1, b1, N_NODES))
    out = _gcn_conv(h, src, dst, W2, b2, N_NODES)
    return out

if __name__ == "__main__":
    import jax
    _d = setup_inputs()
    print(jax.jit(kernel)(*tuple(_d.values())))

</pallas_src>

<mosaic_0001>
#map = affine_map<(d0, d1) -> (0, 0)>
#map1 = affine_map<(d0, d1) -> (0, 0, 0)>
module attributes {stable_mosaic.version = 14 : i64} {
  func.func @agg(%arg0: i32, %arg1: i32, %arg2: memref<10240x32xf32, #tpu.memory_space<hbm>>, %arg3: memref<32x20x500xi32, #tpu.memory_space<hbm>>, %arg4: memref<32x20x500xi32, #tpu.memory_space<hbm>>, %arg5: memref<2x10240x32xf32, #tpu.memory_space<hbm>>, %arg6: memref<20x500xi32, #tpu.memory_space<vmem>>, %arg7: memref<20x500xi32, #tpu.memory_space<vmem>>, %arg8: memref<500x32xf32, #tpu.memory_space<vmem>>, %arg9: memref<500x32xf32, #tpu.memory_space<vmem>>, %arg10: memref<640x32xf32, #tpu.memory_space<vmem>>, %arg11: memref<10240x32xf32, #tpu.memory_space<vmem_shared>>, %arg12: memref<!tpu.dma_semaphore, #tpu.memory_space<semaphore_mem>>, %arg13: memref<!tpu.dma_semaphore, #tpu.memory_space<semaphore_mem>>) attributes {dimension_semantics = [#tpu.dimension_semantics<core_parallel>, #tpu.dimension_semantics<subcore_parallel>], iteration_bounds = array<i64: 2, 16>, scalar_prefetch = 0 : i64, scratch_operands = 8 : i64, tpu.core_type = #tpu.core_type<sc_vector_subcore>, window_params = [{transform_indices = #map}, {transform_indices = #map1}, {transform_indices = #map1}, {transform_indices = #map1}]} {
    %mul3A = arith.constant 16 : i32
    %mul3A_0 = arith.muli %arg0, %mul3A : i32
    %add3A = arith.addi %mul3A_0, %arg1 : i32
    %mul3A_1 = arith.constant 640 : i32
    %mul3A_2 = arith.muli %arg1, %mul3A_1 : i32
    %mul3A_3 = arith.constant 640 : i32
    %mul3A_4 = arith.muli %arg1, %mul3A_3 : i32
    "tpu.region"() ({
      %run_scoped3A = tpu.sem_alloc : memref<!tpu.dma_semaphore, #tpu.memory_space<semaphore_mem>>
      %dma_start3A_41 = arith.constant 0 : i32
      %dma_start3A_42 = tpu.memref_slice %arg11[%mul3A_4, %dma_start3A_41] : memref<10240x32xf32, #tpu.memory_space<vmem_shared>> -> memref<640x32xf32, #tpu.memory_space<vmem_shared>>
      %dma_start3A_43 = arith.constant 0 : i32
      %dma_start3A_44 = tpu.memref_slice %arg2[%mul3A_2, %dma_start3A_43] : memref<10240x32xf32, #tpu.memory_space<hbm>> -> memref<640x32xf32, #tpu.memory_space<hbm>>
      tpu.enqueue_dma source(%dma_start3A_44 : memref<640x32xf32, #tpu.memory_space<hbm>>) target(%dma_start3A_42 : memref<640x32xf32, #tpu.memory_space<vmem_shared>>) target_semaphore(%run_scoped3A : memref<!tpu.dma_semaphore, #tpu.memory_space<semaphore_mem>>)
      %dma_wait3A_45 = arith.constant 0 : i32
      %dma_wait3A_46 = tpu.memref_slice %arg11[%mul3A_4, %dma_wait3A_45] : memref<10240x32xf32, #tpu.memory_space<vmem_shared>> -> memref<640x32xf32, #tpu.memory_space<vmem_shared>>
      %dma_wait3A_47 = arith.constant 0 : i32
      %dma_wait3A_48 = tpu.memref_slice %arg2[%mul3A_2, %dma_wait3A_47] : memref<10240x32xf32, #tpu.memory_space<hbm>> -> memref<640x32xf32, #tpu.memory_space<hbm>>
      tpu.wait_dma2 semaphore(%run_scoped3A : memref<!tpu.dma_semaphore, #tpu.memory_space<semaphore_mem>>) src(%dma_wait3A_48 : memref<640x32xf32, #tpu.memory_space<hbm>>) dst(%dma_wait3A_46 : memref<640x32xf32, #tpu.memory_space<vmem_shared>>)
      tpu.yield
    }) : () -> ()
    "tpu.region"() ({
      %run_scoped3A = tpu.sem_alloc : memref<!tpu.dma_semaphore, #tpu.memory_space<semaphore_mem>>
      %dma_start3A_41 = arith.constant 0 : i32
      %dma_start3A_42 = arith.constant 0 : i32
      %dma_start3A_43 = tpu.memref_slice %arg3[%add3A, %dma_start3A_41, %dma_start3A_42] : memref<32x20x500xi32, #tpu.memory_space<hbm>> -> memref<1x20x500xi32, #tpu.memory_space<hbm>>
      %dma_start3A_44 = tpu.memref_squeeze %dma_start3A_43 : memref<1x20x500xi32, #tpu.memory_space<hbm>> -> memref<20x500xi32, #tpu.memory_space<hbm>>
      %dma_start3A_45 = arith.constant 0 : i32
      %dma_start3A_46 = arith.constant 0 : i32
      %dma_start3A_47 = tpu.memref_slice %arg3[%add3A, %dma_start3A_45, %dma_start3A_46] : memref<32x20x500xi32, #tpu.memory_space<hbm>> -> memref<1x20x500xi32, #tpu.memory_space<hbm>>
      %dma_start3A_48 = tpu.memref_squeeze %dma_start3A_47 : memref<1x20x500xi32, #tpu.memory_space<hbm>> -> memref<20x500xi32, #tpu.memory_space<hbm>>
      tpu.enqueue_dma source(%dma_start3A_48 : memref<20x500xi32, #tpu.memory_space<hbm>>) target(%arg6 : memref<20x500xi32, #tpu.memory_space<vmem>>) target_semaphore(%run_scoped3A : memref<!tpu.dma_semaphore, #tpu.memory_space<semaphore_mem>>)
      %dma_wait3A_49 = arith.constant 0 : i32
      %dma_wait3A_50 = arith.constant 0 : i32
      %dma_wait3A_51 = tpu.memref_slice %arg3[%add3A, %dma_wait3A_49, %dma_wait3A_50] : memref<32x20x500xi32, #tpu.memory_space<hbm>> -> memref<1x20x500xi32, #tpu.memory_space<hbm>>
      %dma_wait3A_52 = tpu.memref_squeeze %dma_wait3A_51 : memref<1x20x500xi32, #tpu.memory_space<hbm>> -> memref<20x500xi32, #tpu.memory_space<hbm>>
      %dma_wait3A_53 = arith.constant 0 : i32
      %dma_wait3A_54 = arith.constant 0 : i32
      %dma_wait3A_55 = tpu.memref_slice %arg3[%add3A, %dma_wait3A_53, %dma_wait3A_54] : memref<32x20x500xi32, #tpu.memory_space<hbm>> -> memref<1x20x500xi32, #tpu.memory_space<hbm>>
      %dma_wait3A_56 = tpu.memref_squeeze %dma_wait3A_55 : memref<1x20x500xi32, #tpu.memory_space<hbm>> -> memref<20x500xi32, #tpu.memory_space<hbm>>
      tpu.wait_dma2 semaphore(%run_scoped3A : memref<!tpu.dma_semaphore, #tpu.memory_space<semaphore_mem>>) src(%dma_wait3A_56 : memref<20x500xi32, #tpu.memory_space<hbm>>) dst(%arg6 : memref<20x500xi32, #tpu.memory_space<vmem>>)
      tpu.yield
    }) : () -> ()
    "tpu.region"() ({
      %run_scoped3A = tpu.sem_alloc : memref<!tpu.dma_semaphore, #tpu.memory_space<semaphore_mem>>
      %dma_start3A_41 = arith.constant 0 : i32
      %dma_start3A_42 = arith.constant 0 : i32
      %dma_start3A_43 = tpu.memref_slice %arg4[%add3A, %dma_start3A_41, %dma_start3A_42] : memref<32x20x500xi32, #tpu.memory_space<hbm>> -> memref<1x20x500xi32, #tpu.memory_space<hbm>>
      %dma_start3A_44 = tpu.memref_squeeze %dma_start3A_43 : memref<1x20x500xi32, #tpu.memory_space<hbm>> -> memref<20x500xi32, #tpu.memory_space<hbm>>
      %dma_start3A_45 = arith.constant 0 : i32
      %dma_start3A_46 = arith.constant 0 : i32
      %dma_start3A_47 = tpu.memref_slice %arg4[%add3A, %dma_start3A_45, %dma_start3A_46] : memref<32x20x500xi32, #tpu.memory_space<hbm>> -> memref<1x20x500xi32, #tpu.memory_space<hbm>>
      %dma_start3A_48 = tpu.memref_squeeze %dma_start3A_47 : memref<1x20x500xi32, #tpu.memory_space<hbm>> -> memref<20x500xi32, #tpu.memory_space<hbm>>
      tpu.enqueue_dma source(%dma_start3A_48 : memref<20x500xi32, #tpu.memory_space<hbm>>) target(%arg7 : memref<20x500xi32, #tpu.memory_space<vmem>>) target_semaphore(%run_scoped3A : memref<!tpu.dma_semaphore, #tpu.memory_space<semaphore_mem>>)
      %dma_wait3A_49 = arith.constant 0 : i32
      %dma_wait3A_50 = arith.constant 0 : i32
      %dma_wait3A_51 = tpu.memref_slice %arg4[%add3A, %dma_wait3A_49, %dma_wait3A_50] : memref<32x20x500xi32, #tpu.memory_space<hbm>> -> memref<1x20x500xi32, #tpu.memory_space<hbm>>
      %dma_wait3A_52 = tpu.memref_squeeze %dma_wait3A_51 : memref<1x20x500xi32, #tpu.memory_space<hbm>> -> memref<20x500xi32, #tpu.memory_space<hbm>>
      %dma_wait3A_53 = arith.constant 0 : i32
      %dma_wait3A_54 = arith.constant 0 : i32
      %dma_wait3A_55 = tpu.memref_slice %arg4[%add3A, %dma_wait3A_53, %dma_wait3A_54] : memref<32x20x500xi32, #tpu.memory_space<hbm>> -> memref<1x20x500xi32, #tpu.memory_space<hbm>>
      %dma_wait3A_56 = tpu.memref_squeeze %dma_wait3A_55 : memref<1x20x500xi32, #tpu.memory_space<hbm>> -> memref<20x500xi32, #tpu.memory_space<hbm>>
      tpu.wait_dma2 semaphore(%run_scoped3A : memref<!tpu.dma_semaphore, #tpu.memory_space<semaphore_mem>>) src(%dma_wait3A_56 : memref<20x500xi32, #tpu.memory_space<hbm>>) dst(%arg7 : memref<20x500xi32, #tpu.memory_space<vmem>>)
      tpu.yield
    }) : () -> ()
    %barrier3A = arith.constant 0 : index
    tpu.barrier barrier_id(%barrier3A)
    %dma_start3A = arith.constant 0 : i32
    %dma_start3A_5 = arith.constant 0 : i32
    %dma_start3A_6 = tpu.memref_slice %arg6[%dma_start3A, %dma_start3A_5] : memref<20x500xi32, #tpu.memory_space<vmem>> -> memref<1x500xi32, #tpu.memory_space<vmem>>
    %dma_start3A_7 = tpu.memref_squeeze %dma_start3A_6 : memref<1x500xi32, #tpu.memory_space<vmem>> -> memref<500xi32, #tpu.memory_space<vmem>>
    %dma_start3A_8 = arith.constant 0 : i32
    %dma_start3A_9 = arith.constant 0 : i32
    %dma_start3A_10 = tpu.memref_slice %arg2[%dma_start3A_8, %dma_start3A_9] : memref<10240x32xf32, #tpu.memory_space<hbm>> -> memref<10240x32xf32, #tpu.memory_space<hbm>>
    tpu.enqueue_indirect_dma source(%dma_start3A_10 : memref<10240x32xf32, #tpu.memory_space<hbm>>) target(%arg8 : memref<500x32xf32, #tpu.memory_space<vmem>>) offsets(%dma_start3A_7 : memref<500xi32, #tpu.memory_space<vmem>>) semaphore(%arg12 : memref<!tpu.dma_semaphore, #tpu.memory_space<semaphore_mem>>)
    %dma_start3A_11 = arith.constant 1 : i32
    %dma_start3A_12 = arith.constant 0 : i32
    %dma_start3A_13 = tpu.memref_slice %arg6[%dma_start3A_11, %dma_start3A_12] : memref<20x500xi32, #tpu.memory_space<vmem>> -> memref<1x500xi32, #tpu.memory_space<vmem>>
    %dma_start3A_14 = tpu.memref_squeeze %dma_start3A_13 : memref<1x500xi32, #tpu.memory_space<vmem>> -> memref<500xi32, #tpu.memory_space<vmem>>
    %dma_start3A_15 = arith.constant 0 : i32
    %dma_start3A_16 = arith.constant 0 : i32
    %dma_start3A_17 = tpu.memref_slice %arg2[%dma_start3A_15, %dma_start3A_16] : memref<10240x32xf32, #tpu.memory_space<hbm>> -> memref<10240x32xf32, #tpu.memory_space<hbm>>
    tpu.enqueue_indirect_dma source(%dma_start3A_17 : memref<10240x32xf32, #tpu.memory_space<hbm>>) target(%arg9 : memref<500x32xf32, #tpu.memory_space<vmem>>) offsets(%dma_start3A_14 : memref<500xi32, #tpu.memory_space<vmem>>) semaphore(%arg13 : memref<!tpu.dma_semaphore, #tpu.memory_space<semaphore_mem>>)
    %scan3A = arith.constant 0 : i32
    %scan3A_18 = arith.constant 0 : i32
    %scan3A_19 = arith.constant 10 : i32
    %scan3A_20 = arith.addi %scan3A_18, %scan3A_19 : i32
    %scan3A_21 = arith.constant 1 : i32
    scf.for %scan3A_41 = %scan3A_18 to %scan3A_20 step %scan3A_21  : i32 {
      %mul3A_42 = arith.constant 2 : i32
      %mul3A_43 = arith.muli %mul3A_42, %scan3A_41 : i32
      %add3A_44 = arith.constant 0 : i32
      %add3A_45 = arith.addi %mul3A_43, %add3A_44 : i32
      %dma_wait3A_46 = arith.constant 0 : i32
      %dma_wait3A_47 = tpu.memref_slice %arg6[%add3A_45, %dma_wait3A_46] : memref<20x500xi32, #tpu.memory_space<vmem>> -> memref<1x500xi32, #tpu.memory_space<vmem>>
      %dma_wait3A_48 = tpu.memref_squeeze %dma_wait3A_47 : memref<1x500xi32, #tpu.memory_space<vmem>> -> memref<500xi32, #tpu.memory_space<vmem>>
      %dma_wait3A_49 = arith.constant 0 : i32
      %dma_wait3A_50 = arith.constant 0 : i32
      %dma_wait3A_51 = tpu.memref_slice %arg2[%dma_wait3A_49, %dma_wait3A_50] : memref<10240x32xf32, #tpu.memory_space<hbm>> -> memref<10240x32xf32, #tpu.memory_space<hbm>>
      tpu.wait_indirect_dma semaphore(%arg12 : memref<!tpu.dma_semaphore, #tpu.memory_space<semaphore_mem>>) src(%dma_wait3A_51 : memref<10240x32xf32, #tpu.memory_space<hbm>>) dst(%arg8 : memref<500x32xf32, #tpu.memory_space<vmem>>)
      "tpu.region"() ({
        %run_scoped3A = tpu.sem_alloc : memref<!tpu.dma_semaphore, #tpu.memory_space<semaphore_mem>>
        %dma_start3A_81 = arith.constant 0 : i32
        %dma_start3A_82 = tpu.memref_slice %arg7[%add3A_45, %dma_start3A_81] : memref<20x500xi32, #tpu.memory_space<vmem>> -> memref<1x500xi32, #tpu.memory_space<vmem>>
        %dma_start3A_83 = tpu.memref_squeeze %dma_start3A_82 : memref<1x500xi32, #tpu.memory_space<vmem>> -> memref<500xi32, #tpu.memory_space<vmem>>
        %dma_start3A_84 = arith.constant 0 : i32
        %dma_start3A_85 = arith.constant 0 : i32
        %dma_start3A_86 = tpu.memref_slice %arg11[%dma_start3A_84, %dma_start3A_85] : memref<10240x32xf32, #tpu.memory_space<vmem_shared>> -> memref<10240x32xf32, #tpu.memory_space<vmem_shared>>
        tpu.enqueue_indirect_dma source(%arg8 : memref<500x32xf32, #tpu.memory_space<vmem>>) target(%dma_start3A_86 : memref<10240x32xf32, #tpu.memory_space<vmem_shared>>) offsets(%dma_start3A_83 : memref<500xi32, #tpu.memory_space<vmem>>) semaphore(%run_scoped3A : memref<!tpu.dma_semaphore, #tpu.memory_space<semaphore_mem>>) {add = true}
        %dma_wait3A_87 = arith.constant 0 : i32
        %dma_wait3A_88 = tpu.memref_slice %arg7[%add3A_45, %dma_wait3A_87] : memref<20x500xi32, #tpu.memory_space<vmem>> -> memref<1x500xi32, #tpu.memory_space<vmem>>
        %dma_wait3A_89 = tpu.memref_squeeze %dma_wait3A_88 : memref<1x500xi32, #tpu.memory_space<vmem>> -> memref<500xi32, #tpu.memory_space<vmem>>
        %dma_wait3A_90 = arith.constant 0 : i32
        %dma_wait3A_91 = arith.constant 0 : i32
        %dma_wait3A_92 = tpu.memref_slice %arg11[%dma_wait3A_90, %dma_wait3A_91] : memref<10240x32xf32, #tpu.memory_space<vmem_shared>> -> memref<10240x32xf32, #tpu.memory_space<vmem_shared>>
        tpu.wait_indirect_dma semaphore(%run_scoped3A : memref<!tpu.dma_semaphore, #tpu.memory_space<semaphore_mem>>) src(%arg8 : memref<500x32xf32, #tpu.memory_space<vmem>>) dst(%dma_wait3A_92 : memref<10240x32xf32, #tpu.memory_space<vmem_shared>>)
        tpu.yield
      }) : () -> ()
      %add3A_52 = arith.constant 2 : i32
      %add3A_53 = arith.addi %add3A_45, %add3A_52 : i32
      %min3A = arith.constant 19 : i32
      %min3A_54 = arith.minsi %add3A_53, %min3A : i32
      %dma_start3A_55 = arith.constant 0 : i32
      %dma_start3A_56 = tpu.memref_slice %arg6[%min3A_54, %dma_start3A_55] : memref<20x500xi32, #tpu.memory_space<vmem>> -> memref<1x500xi32, #tpu.memory_space<vmem>>
      %dma_start3A_57 = tpu.memref_squeeze %dma_start3A_56 : memref<1x500xi32, #tpu.memory_space<vmem>> -> memref<500xi32, #tpu.memory_space<vmem>>
      %dma_start3A_58 = arith.constant 0 : i32
      %dma_start3A_59 = arith.constant 0 : i32
      %dma_start3A_60 = tpu.memref_slice %arg2[%dma_start3A_58, %dma_start3A_59] : memref<10240x32xf32, #tpu.memory_space<hbm>> -> memref<10240x32xf32, #tpu.memory_space<hbm>>
      tpu.enqueue_indirect_dma source(%dma_start3A_60 : memref<10240x32xf32, #tpu.memory_space<hbm>>) target(%arg8 : memref<500x32xf32, #tpu.memory_space<vmem>>) offsets(%dma_start3A_57 : memref<500xi32, #tpu.memory_space<vmem>>) semaphore(%arg12 : memref<!tpu.dma_semaphore, #tpu.memory_space<semaphore_mem>>)
      %mul3A_61 = arith.constant 2 : i32
      %mul3A_62 = arith.muli %mul3A_61, %scan3A_41 : i32
      %add3A_63 = arith.constant 1 : i32
      %add3A_64 = arith.addi %mul3A_62, %add3A_63 : i32
      %dma_wait3A_65 = arith.constant 0 : i32
      %dma_wait3A_66 = tpu.memref_slice %arg6[%add3A_64, %dma_wait3A_65] : memref<20x500xi32, #tpu.memory_space<vmem>> -> memref<1x500xi32, #tpu.memory_space<vmem>>
      %dma_wait3A_67 = tpu.memref_squeeze %dma_wait3A_66 : memref<1x500xi32, #tpu.memory_space<vmem>> -> memref<500xi32, #tpu.memory_space<vmem>>
      %dma_wait3A_68 = arith.constant 0 : i32
      %dma_wait3A_69 = arith.constant 0 : i32
      %dma_wait3A_70 = tpu.memref_slice %arg2[%dma_wait3A_68, %dma_wait3A_69] : memref<10240x32xf32, #tpu.memory_space<hbm>> -> memref<10240x32xf32, #tpu.memory_space<hbm>>
      tpu.wait_indirect_dma semaphore(%arg13 : memref<!tpu.dma_semaphore, #tpu.memory_space<semaphore_mem>>) src(%dma_wait3A_70 : memref<10240x32xf32, #tpu.memory_space<hbm>>) dst(%arg9 : memref<500x32xf32, #tpu.memory_space<vmem>>)
      "tpu.region"() ({
        %run_scoped3A = tpu.sem_alloc : memref<!tpu.dma_semaphore, #tpu.memory_space<semaphore_mem>>
        %dma_start3A_81 = arith.constant 0 : i32
        %dma_start3A_82 = tpu.memref_slice %arg7[%add3A_64, %dma_start3A_81] : memref<20x500xi32, #tpu.memory_space<vmem>> -> memref<1x500xi32, #tpu.memory_space<vmem>>
        %dma_start3A_83 = tpu.memref_squeeze %dma_start3A_82 : memref<1x500xi32, #tpu.memory_space<vmem>> -> memref<500xi32, #tpu.memory_space<vmem>>
        %dma_start3A_84 = arith.constant 0 : i32
        %dma_start3A_85 = arith.constant 0 : i32
        %dma_start3A_86 = tpu.memref_slice %arg11[%dma_start3A_84, %dma_start3A_85] : memref<10240x32xf32, #tpu.memory_space<vmem_shared>> -> memref<10240x32xf32, #tpu.memory_space<vmem_shared>>
        tpu.enqueue_indirect_dma source(%arg9 : memref<500x32xf32, #tpu.memory_space<vmem>>) target(%dma_start3A_86 : memref<10240x32xf32, #tpu.memory_space<vmem_shared>>) offsets(%dma_start3A_83 : memref<500xi32, #tpu.memory_space<vmem>>) semaphore(%run_scoped3A : memref<!tpu.dma_semaphore, #tpu.memory_space<semaphore_mem>>) {add = true}
        %dma_wait3A_87 = arith.constant 0 : i32
        %dma_wait3A_88 = tpu.memref_slice %arg7[%add3A_64, %dma_wait3A_87] : memref<20x500xi32, #tpu.memory_space<vmem>> -> memref<1x500xi32, #tpu.memory_space<vmem>>
        %dma_wait3A_89 = tpu.memref_squeeze %dma_wait3A_88 : memref<1x500xi32, #tpu.memory_space<vmem>> -> memref<500xi32, #tpu.memory_space<vmem>>
        %dma_wait3A_90 = arith.constant 0 : i32
        %dma_wait3A_91 = arith.constant 0 : i32
        %dma_wait3A_92 = tpu.memref_slice %arg11[%dma_wait3A_90, %dma_wait3A_91] : memref<10240x32xf32, #tpu.memory_space<vmem_shared>> -> memref<10240x32xf32, #tpu.memory_space<vmem_shared>>
        tpu.wait_indirect_dma semaphore(%run_scoped3A : memref<!tpu.dma_semaphore, #tpu.memory_space<semaphore_mem>>) src(%arg9 : memref<500x32xf32, #tpu.memory_space<vmem>>) dst(%dma_wait3A_92 : memref<10240x32xf32, #tpu.memory_space<vmem_shared>>)
        tpu.yield
      }) : () -> ()
      %add3A_71 = arith.constant 2 : i32
      %add3A_72 = arith.addi %add3A_64, %add3A_71 : i32
      %min3A_73 = arith.constant 19 : i32
      %min3A_74 = arith.minsi %add3A_72, %min3A_73 : i32
      %dma_start3A_75 = arith.constant 0 : i32
      %dma_start3A_76 = tpu.memref_slice %arg6[%min3A_74, %dma_start3A_75] : memref<20x500xi32, #tpu.memory_space<vmem>> -> memref<1x500xi32, #tpu.memory_space<vmem>>
      %dma_start3A_77 = tpu.memref_squeeze %dma_start3A_76 : memref<1x500xi32, #tpu.memory_space<vmem>> -> memref<500xi32, #tpu.memory_space<vmem>>
      %dma_start3A_78 = arith.constant 0 : i32
      %dma_start3A_79 = arith.constant 0 : i32
      %dma_start3A_80 = tpu.memref_slice %arg2[%dma_start3A_78, %dma_start3A_79] : memref<10240x32xf32, #tpu.memory_space<hbm>> -> memref<10240x32xf32, #tpu.memory_space<hbm>>
      tpu.enqueue_indirect_dma source(%dma_start3A_80 : memref<10240x32xf32, #tpu.memory_space<hbm>>) target(%arg9 : memref<500x32xf32, #tpu.memory_space<vmem>>) offsets(%dma_start3A_77 : memref<500xi32, #tpu.memory_space<vmem>>) semaphore(%arg13 : memref<!tpu.dma_semaphore, #tpu.memory_space<semaphore_mem>>)
    }
    %scan3A_22 = arith.constant 10 : i32
    %dma_wait3A = arith.constant 19 : i32
    %dma_wait3A_23 = arith.constant 0 : i32
    %dma_wait3A_24 = tpu.memref_slice %arg6[%dma_wait3A, %dma_wait3A_23] : memref<20x500xi32, #tpu.memory_space<vmem>> -> memref<1x500xi32, #tpu.memory_space<vmem>>
    %dma_wait3A_25 = tpu.memref_squeeze %dma_wait3A_24 : memref<1x500xi32, #tpu.memory_space<vmem>> -> memref<500xi32, #tpu.memory_space<vmem>>
    %dma_wait3A_26 = arith.constant 0 : i32
    %dma_wait3A_27 = arith.constant 0 : i32
    %dma_wait3A_28 = tpu.memref_slice %arg2[%dma_wait3A_26, %dma_wait3A_27] : memref<10240x32xf32, #tpu.memory_space<hbm>> -> memref<10240x32xf32, #tpu.memory_space<hbm>>
    tpu.wait_indirect_dma semaphore(%arg12 : memref<!tpu.dma_semaphore, #tpu.memory_space<semaphore_mem>>) src(%dma_wait3A_28 : memref<10240x32xf32, #tpu.memory_space<hbm>>) dst(%arg8 : memref<500x32xf32, #tpu.memory_space<vmem>>)
    %dma_wait3A_29 = arith.constant 19 : i32
    %dma_wait3A_30 = arith.constant 0 : i32
    %dma_wait3A_31 = tpu.memref_slice %arg6[%dma_wait3A_29, %dma_wait3A_30] : memref<20x500xi32, #tpu.memory_space<vmem>> -> memref<1x500xi32, #tpu.memory_space<vmem>>
    %dma_wait3A_32 = tpu.memref_squeeze %dma_wait3A_31 : memref<1x500xi32, #tpu.memory_space<vmem>> -> memref<500xi32, #tpu.memory_space<vmem>>
    %dma_wait3A_33 = arith.constant 0 : i32
    %dma_wait3A_34 = arith.constant 0 : i32
    %dma_wait3A_35 = tpu.memref_slice %arg2[%dma_wait3A_33, %dma_wait3A_34] : memref<10240x32xf32, #tpu.memory_space<hbm>> -> memref<10240x32xf32, #tpu.memory_space<hbm>>
    tpu.wait_indirect_dma semaphore(%arg13 : memref<!tpu.dma_semaphore, #tpu.memory_space<semaphore_mem>>) src(%dma_wait3A_35 : memref<10240x32xf32, #tpu.memory_space<hbm>>) dst(%arg9 : memref<500x32xf32, #tpu.memory_space<vmem>>)
    %barrier3A_36 = arith.constant 0 : index
    tpu.barrier barrier_id(%barrier3A_36)
    %mul3A_37 = arith.constant 640 : i32
    %mul3A_38 = arith.muli %arg1, %mul3A_37 : i32
    %mul3A_39 = arith.constant 640 : i32
    %mul3A_40 = arith.muli %arg1, %mul3A_39 : i32
    "tpu.region"() ({
      %run_scoped3A = tpu.sem_alloc : memref<!tpu.dma_semaphore, #tpu.memory_space<semaphore_mem>>
      %dma_start3A_41 = arith.constant 0 : i32
      %dma_start3A_42 = arith.constant 0 : i32
      %dma_start3A_43 = tpu.memref_slice %arg5[%arg0, %dma_start3A_41, %dma_start3A_42] : memref<2x10240x32xf32, #tpu.memory_space<hbm>> -> memref<1x10240x32xf32, #tpu.memory_space<hbm>>
      %dma_start3A_44 = tpu.memref_squeeze %dma_start3A_43 : memref<1x10240x32xf32, #tpu.memory_space<hbm>> -> memref<10240x32xf32, #tpu.memory_space<hbm>>
      %dma_start3A_45 = arith.constant 0 : i32
      %dma_start3A_46 = tpu.memref_slice %dma_start3A_44[%mul3A_40, %dma_start3A_45] : memref<10240x32xf32, #tpu.memory_space<hbm>> -> memref<640x32xf32, #tpu.memory_space<hbm>>
      %dma_start3A_47 = arith.constant 0 : i32
      %dma_start3A_48 = tpu.memref_slice %arg11[%mul3A_38, %dma_start3A_47] : memref<10240x32xf32, #tpu.memory_space<vmem_shared>> -> memref<640x32xf32, #tpu.memory_space<vmem_shared>>
      tpu.enqueue_dma source(%dma_start3A_48 : memref<640x32xf32, #tpu.memory_space<vmem_shared>>) target(%dma_start3A_46 : memref<640x32xf32, #tpu.memory_space<hbm>>) target_semaphore(%run_scoped3A : memref<!tpu.dma_semaphore, #tpu.memory_space<semaphore_mem>>)
      %dma_wait3A_49 = arith.constant 0 : i32
      %dma_wait3A_50 = arith.constant 0 : i32
      %dma_wait3A_51 = tpu.memref_slice %arg5[%arg0, %dma_wait3A_49, %dma_wait3A_50] : memref<2x10240x32xf32, #tpu.memory_space<hbm>> -> memref<1x10240x32xf32, #tpu.memory_space<hbm>>
      %dma_wait3A_52 = tpu.memref_squeeze %dma_wait3A_51 : memref<1x10240x32xf32, #tpu.memory_space<hbm>> -> memref<10240x32xf32, #tpu.memory_space<hbm>>
      %dma_wait3A_53 = arith.constant 0 : i32
      %dma_wait3A_54 = tpu.memref_slice %dma_wait3A_52[%mul3A_40, %dma_wait3A_53] : memref<10240x32xf32, #tpu.memory_space<hbm>> -> memref<640x32xf32, #tpu.memory_space<hbm>>
      %dma_wait3A_55 = arith.constant 0 : i32
      %dma_wait3A_56 = tpu.memref_slice %arg11[%mul3A_38, %dma_wait3A_55] : memref<10240x32xf32, #tpu.memory_space<vmem_shared>> -> memref<640x32xf32, #tpu.memory_space<vmem_shared>>
      tpu.wait_dma2 semaphore(%run_scoped3A : memref<!tpu.dma_semaphore, #tpu.memory_space<semaphore_mem>>) src(%dma_wait3A_56 : memref<640x32xf32, #tpu.memory_space<vmem_shared>>) dst(%dma_wait3A_54 : memref<640x32xf32, #tpu.memory_space<hbm>>)
      tpu.yield
    }) : () -> ()
    return
  }
}

#map = affine_map<(d0, d1) -> (0, 0, 0)>
#map1 = affine_map<(d0, d1) -> (0, 0)>
module attributes {stable_mosaic.version = 14 : i64} {
  func.func @_deg_kernel(%arg0: i32, %arg1: i32, %arg2: memref<32x20x500xi32, #tpu.memory_space<hbm>>, %arg3: memref<2x10240xf32, #tpu.memory_space<hbm>>, %arg4: memref<20x500xi32, #tpu.memory_space<vmem>>, %arg5: memref<512xf32, #tpu.memory_space<vmem>>, %arg6: memref<640xf32, #tpu.memory_space<vmem>>, %arg7: memref<10240xf32, #tpu.memory_space<vmem_shared>>) attributes {dimension_semantics = [#tpu.dimension_semantics<core_parallel>, #tpu.dimension_semantics<subcore_parallel>], iteration_bounds = array<i64: 2, 16>, scalar_prefetch = 0 : i64, scratch_operands = 4 : i64, tpu.core_type = #tpu.core_type<sc_vector_subcore>, window_params = [{transform_indices = #map}, {transform_indices = #map1}]} {
    %mul3A = arith.constant 16 : i32
    %mul3A_0 = arith.muli %arg0, %mul3A : i32
    %add3A = arith.addi %mul3A_0, %arg1 : i32
    %scan3A = arith.constant 0 : i32
    %scan3A_1 = arith.constant 0 : i32
    %scan3A_2 = arith.constant 32 : i32
    %scan3A_3 = arith.addi %scan3A_1, %scan3A_2 : i32
    %scan3A_4 = arith.constant 1 : i32
    scf.for %scan3A_23 = %scan3A_1 to %scan3A_3 step %scan3A_4  : i32 {
      %broadcast_in_dim3A = arith.constant 1.000000e+00 : f32
      %broadcast_in_dim3A_24 = vector.broadcast %broadcast_in_dim3A : f32 to vector<16xf32>
      %mul3A_25 = arith.constant 16 : i32
      %mul3A_26 = arith.muli %scan3A_23, %mul3A_25 : i32
      %swap3A = arith.index_cast %mul3A_26 : i32 to index
      %swap3A_27 = tpu.vector_load %arg5[%swap3A] {strides = array<i32>} : memref<512xf32, #tpu.memory_space<vmem>>, vector<16xf32>,
      %swap3A_28 = vector.shape_cast %swap3A_27 : vector<16xf32> to vector<16xf32>
      %swap3A_29 = vector.shape_cast %broadcast_in_dim3A_24 : vector<16xf32> to vector<16xf32>
      tpu.vector_store %arg5[%swap3A], %swap3A_29 {strides = array<i32>} : memref<512xf32, #tpu.memory_space<vmem>>, vector<16xf32>,
    }
    %scan3A_5 = arith.constant 32 : i32
    %scan3A_6 = arith.constant 0 : i32
    %scan3A_7 = arith.constant 0 : i32
    %scan3A_8 = arith.constant 5 : i32
    %scan3A_9 = arith.addi %scan3A_7, %scan3A_8 : i32
    %scan3A_10 = arith.constant 1 : i32
    scf.for %scan3A_23 = %scan3A_7 to %scan3A_9 step %scan3A_10  : i32 {
      %mul3A_24 = arith.constant 640 : i32
      %mul3A_25 = arith.muli %arg1, %mul3A_24 : i32
      %mul3A_26 = arith.constant 128 : i32
      %mul3A_27 = arith.muli %scan3A_23, %mul3A_26 : i32
      %add3A_28 = arith.addi %mul3A_25, %mul3A_27 : i32
      "tpu.region"() ({
        %run_scoped3A = tpu.sem_alloc : memref<!tpu.dma_semaphore, #tpu.memory_space<semaphore_mem>>
        %dma_start3A = arith.constant 0 : i32
        %dma_start3A_29 = tpu.memref_slice %arg5[%dma_start3A] : memref<512xf32, #tpu.memory_space<vmem>> -> memref<128xf32, #tpu.memory_space<vmem>>
        %dma_start3A_30 = tpu.memref_slice %arg7[%add3A_28] : memref<10240xf32, #tpu.memory_space<vmem_shared>> -> memref<128xf32, #tpu.memory_space<vmem_shared>>
        %dma_start3A_31 = tpu.memref_slice %arg7[%add3A_28] : memref<10240xf32, #tpu.memory_space<vmem_shared>> -> memref<128xf32, #tpu.memory_space<vmem_shared>>
        %dma_start3A_32 = arith.constant 0 : i32
        %dma_start3A_33 = tpu.memref_slice %arg5[%dma_start3A_32] : memref<512xf32, #tpu.memory_space<vmem>> -> memref<128xf32, #tpu.memory_space<vmem>>
        tpu.enqueue_dma source(%dma_start3A_33 : memref<128xf32, #tpu.memory_space<vmem>>) target(%dma_start3A_31 : memref<128xf32, #tpu.memory_space<vmem_shared>>) target_semaphore(%run_scoped3A : memref<!tpu.dma_semaphore, #tpu.memory_space<semaphore_mem>>)
        %dma_wait3A = arith.constant 0 : i32
        %dma_wait3A_34 = tpu.memref_slice %arg5[%dma_wait3A] : memref<512xf32, #tpu.memory_space<vmem>> -> memref<128xf32, #tpu.memory_space<vmem>>
        %dma_wait3A_35 = tpu.memref_slice %arg7[%add3A_28] : memref<10240xf32, #tpu.memory_space<vmem_shared>> -> memref<128xf32, #tpu.memory_space<vmem_shared>>
        %dma_wait3A_36 = tpu.memref_slice %arg7[%add3A_28] : memref<10240xf32, #tpu.memory_space<vmem_shared>> -> memref<128xf32, #tpu.memory_space<vmem_shared>>
        %dma_wait3A_37 = arith.constant 0 : i32
        %dma_wait3A_38 = tpu.memref_slice %arg5[%dma_wait3A_37] : memref<512xf32, #tpu.memory_space<vmem>> -> memref<128xf32, #tpu.memory_space<vmem>>
        tpu.wait_dma2 semaphore(%run_scoped3A : memref<!tpu.dma_semaphore, #tpu.memory_space<semaphore_mem>>) src(%dma_wait3A_38 : memref<128xf32, #tpu.memory_space<vmem>>) dst(%dma_wait3A_36 : memref<128xf32, #tpu.memory_space<vmem_shared>>)
        tpu.yield
      }) : () -> ()
    }
    %scan3A_11 = arith.constant 5 : i32
    "tpu.region"() ({
      %run_scoped3A = tpu.sem_alloc : memref<!tpu.dma_semaphore, #tpu.memory_space<semaphore_mem>>
      %dma_start3A = arith.constant 0 : i32
      %dma_start3A_23 = arith.constant 0 : i32
      %dma_start3A_24 = tpu.memref_slice %arg2[%add3A, %dma_start3A, %dma_start3A_23] : memref<32x20x500xi32, #tpu.memory_space<hbm>> -> memref<1x20x500xi32, #tpu.memory_space<hbm>>
      %dma_start3A_25 = tpu.memref_squeeze %dma_start3A_24 : memref<1x20x500xi32, #tpu.memory_space<hbm>> -> memref<20x500xi32, #tpu.memory_space<hbm>>
      %dma_start3A_26 = arith.constant 0 : i32
      %dma_start3A_27 = arith.constant 0 : i32
      %dma_start3A_28 = tpu.memref_slice %arg2[%add3A, %dma_start3A_26, %dma_start3A_27] : memref<32x20x500xi32, #tpu.memory_space<hbm>> -> memref<1x20x500xi32, #tpu.memory_space<hbm>>
      %dma_start3A_29 = tpu.memref_squeeze %dma_start3A_28 : memref<1x20x500xi32, #tpu.memory_space<hbm>> -> memref<20x500xi32, #tpu.memory_space<hbm>>
      tpu.enqueue_dma source(%dma_start3A_29 : memref<20x500xi32, #tpu.memory_space<hbm>>) target(%arg4 : memref<20x500xi32, #tpu.memory_space<vmem>>) target_semaphore(%run_scoped3A : memref<!tpu.dma_semaphore, #tpu.memory_space<semaphore_mem>>)
      %dma_wait3A = arith.constant 0 : i32
      %dma_wait3A_30 = arith.constant 0 : i32
      %dma_wait3A_31 = tpu.memref_slice %arg2[%add3A, %dma_wait3A, %dma_wait3A_30] : memref<32x20x500xi32, #tpu.memory_space<hbm>> -> memref<1x20x500xi32, #tpu.memory_space<hbm>>
      %dma_wait3A_32 = tpu.memref_squeeze %dma_wait3A_31 : memref<1x20x500xi32, #tpu.memory_space<hbm>> -> memref<20x500xi32, #tpu.memory_space<hbm>>
      %dma_wait3A_33 = arith.constant 0 : i32
      %dma_wait3A_34 = arith.constant 0 : i32
      %dma_wait3A_35 = tpu.memref_slice %arg2[%add3A, %dma_wait3A_33, %dma_wait3A_34] : memref<32x20x500xi32, #tpu.memory_space<hbm>> -> memref<1x20x500xi32, #tpu.memory_space<hbm>>
      %dma_wait3A_36 = tpu.memref_squeeze %dma_wait3A_35 : memref<1x20x500xi32, #tpu.memory_space<hbm>> -> memref<20x500xi32, #tpu.memory_space<hbm>>
      tpu.wait_dma2 semaphore(%run_scoped3A : memref<!tpu.dma_semaphore, #tpu.memory_space<semaphore_mem>>) src(%dma_wait3A_36 : memref<20x500xi32, #tpu.memory_space<hbm>>) dst(%arg4 : memref<20x500xi32, #tpu.memory_space<vmem>>)
      tpu.yield
    }) : () -> ()
    %barrier3A = arith.constant 0 : index
    tpu.barrier barrier_id(%barrier3A)
    %scan3A_12 = arith.constant 0 : i32
    %scan3A_13 = arith.constant 0 : i32
    %scan3A_14 = arith.constant 20 : i32
    %scan3A_15 = arith.addi %scan3A_13, %scan3A_14 : i32
    %scan3A_16 = arith.constant 1 : i32
    scf.for %scan3A_23 = %scan3A_13 to %scan3A_15 step %scan3A_16  : i32 {
      "tpu.region"() ({
        %run_scoped3A = tpu.sem_alloc : memref<!tpu.dma_semaphore, #tpu.memory_space<semaphore_mem>>
        %dma_start3A = arith.constant 0 : i32
        %dma_start3A_24 = tpu.memref_slice %arg5[%dma_start3A] : memref<512xf32, #tpu.memory_space<vmem>> -> memref<500xf32, #tpu.memory_space<vmem>>
        %dma_start3A_25 = arith.constant 0 : i32
        %dma_start3A_26 = tpu.memref_slice %arg4[%scan3A_23, %dma_start3A_25] : memref<20x500xi32, #tpu.memory_space<vmem>> -> memref<1x500xi32, #tpu.memory_space<vmem>>
        %dma_start3A_27 = tpu.memref_squeeze %dma_start3A_26 : memref<1x500xi32, #tpu.memory_space<vmem>> -> memref<500xi32, #tpu.memory_space<vmem>>
        %dma_start3A_28 = arith.constant 0 : i32
        %dma_start3A_29 = tpu.memref_slice %arg7[%dma_start3A_28] : memref<10240xf32, #tpu.memory_space<vmem_shared>> -> memref<10240xf32, #tpu.memory_space<vmem_shared>>
        tpu.enqueue_indirect_dma source(%dma_start3A_24 : memref<500xf32, #tpu.memory_space<vmem>>) target(%dma_start3A_29 : memref<10240xf32, #tpu.memory_space<vmem_shared>>) offsets(%dma_start3A_27 : memref<500xi32, #tpu.memory_space<vmem>>) semaphore(%run_scoped3A : memref<!tpu.dma_semaphore, #tpu.memory_space<semaphore_mem>>) {add = true}
        %dma_wait3A = arith.constant 0 : i32
        %dma_wait3A_30 = tpu.memref_slice %arg5[%dma_wait3A] : memref<512xf32, #tpu.memory_space<vmem>> -> memref<500xf32, #tpu.memory_space<vmem>>
        %dma_wait3A_31 = arith.constant 0 : i32
        %dma_wait3A_32 = tpu.memref_slice %arg4[%scan3A_23, %dma_wait3A_31] : memref<20x500xi32, #tpu.memory_space<vmem>> -> memref<1x500xi32, #tpu.memory_space<vmem>>
        %dma_wait3A_33 = tpu.memref_squeeze %dma_wait3A_32 : memref<1x500xi32, #tpu.memory_space<vmem>> -> memref<500xi32, #tpu.memory_space<vmem>>
        %dma_wait3A_34 = arith.constant 0 : i32
        %dma_wait3A_35 = tpu.memref_slice %arg7[%dma_wait3A_34] : memref<10240xf32, #tpu.memory_space<vmem_shared>> -> memref<10240xf32, #tpu.memory_space<vmem_shared>>
        tpu.wait_indirect_dma semaphore(%run_scoped3A : memref<!tpu.dma_semaphore, #tpu.memory_space<semaphore_mem>>) src(%dma_wait3A_30 : memref<500xf32, #tpu.memory_space<vmem>>) dst(%dma_wait3A_35 : memref<10240xf32, #tpu.memory_space<vmem_shared>>)
        tpu.yield
      }) : () -> ()
    }
    %scan3A_17 = arith.constant 20 : i32
    %barrier3A_18 = arith.constant 0 : index
    tpu.barrier barrier_id(%barrier3A_18)
    %mul3A_19 = arith.constant 640 : i32
    %mul3A_20 = arith.muli %arg1, %mul3A_19 : i32
    %mul3A_21 = arith.constant 640 : i32
    %mul3A_22 = arith.muli %arg1, %mul3A_21 : i32
    "tpu.region"() ({
      %run_scoped3A = tpu.sem_alloc : memref<!tpu.dma_semaphore, #tpu.memory_space<semaphore_mem>>
      %dma_start3A = arith.constant 0 : i32
      %dma_start3A_23 = tpu.memref_slice %arg3[%arg0, %dma_start3A] : memref<2x10240xf32, #tpu.memory_space<hbm>> -> memref<1x10240xf32, #tpu.memory_space<hbm>>
      %dma_start3A_24 = tpu.memref_squeeze %dma_start3A_23 : memref<1x10240xf32, #tpu.memory_space<hbm>> -> memref<10240xf32, #tpu.memory_space<hbm>>
      %dma_start3A_25 = tpu.memref_slice %dma_start3A_24[%mul3A_22] : memref<10240xf32, #tpu.memory_space<hbm>> -> memref<640xf32, #tpu.memory_space<hbm>>
      %dma_start3A_26 = tpu.memref_slice %arg7[%mul3A_20] : memref<10240xf32, #tpu.memory_space<vmem_shared>> -> memref<640xf32, #tpu.memory_space<vmem_shared>>
      tpu.enqueue_dma source(%dma_start3A_26 : memref<640xf32, #tpu.memory_space<vmem_shared>>) target(%dma_start3A_25 : memref<640xf32, #tpu.memory_space<hbm>>) target_semaphore(%run_scoped3A : memref<!tpu.dma_semaphore, #tpu.memory_space<semaphore_mem>>)
      %dma_wait3A = arith.constant 0 : i32
      %dma_wait3A_27 = tpu.memref_slice %arg3[%arg0, %dma_wait3A] : memref<2x10240xf32, #tpu.memory_space<hbm>> -> memref<1x10240xf32, #tpu.memory_space<hbm>>
      %dma_wait3A_28 = tpu.memref_squeeze %dma_wait3A_27 : memref<1x10240xf32, #tpu.memory_space<hbm>> -> memref<10240xf32, #tpu.memory_space<hbm>>
      %dma_wait3A_29 = tpu.memref_slice %dma_wait3A_28[%mul3A_22] : memref<10240xf32, #tpu.memory_space<hbm>> -> memref<640xf32, #tpu.memory_space<hbm>>
      %dma_wait3A_30 = tpu.memref_slice %arg7[%mul3A_20] : memref<10240xf32, #tpu.memory_space<vmem_shared>> -> memref<640xf32, #tpu.memory_space<vmem_shared>>
      tpu.wait_dma2 semaphore(%run_scoped3A : memref<!tpu.dma_semaphore, #tpu.memory_space<semaphore_mem>>) src(%dma_wait3A_30 : memref<640xf32, #tpu.memory_space<vmem_shared>>) dst(%dma_wait3A_29 : memref<640xf32, #tpu.memory_space<hbm>>)
      tpu.yield
    }) : () -> ()
    return
  }
}

#map = affine_map<(d0, d1) -> (0, 0)>
#map1 = affine_map<(d0, d1) -> (0, 0, 0)>
module attributes {stable_mosaic.version = 14 : i64} {
  func.func @agg(%arg0: i32, %arg1: i32, %arg2: memref<10240x64xf32, #tpu.memory_space<hbm>>, %arg3: memref<32x40x250xi32, #tpu.memory_space<hbm>>, %arg4: memref<32x40x250xi32, #tpu.memory_space<hbm>>, %arg5: memref<2x10240x64xf32, #tpu.memory_space<hbm>>, %arg6: memref<40x250xi32, #tpu.memory_space<vmem>>, %arg7: memref<40x250xi32, #tpu.memory_space<vmem>>, %arg8: memref<250x64xf32, #tpu.memory_space<vmem>>, %arg9: memref<250x64xf32, #tpu.memory_space<vmem>>, %arg10: memref<640x64xf32, #tpu.memory_space<vmem>>, %arg11: memref<10240x64xf32, #tpu.memory_space<vmem_shared>>, %arg12: memref<!tpu.dma_semaphore, #tpu.memory_space<semaphore_mem>>, %arg13: memref<!tpu.dma_semaphore, #tpu.memory_space<semaphore_mem>>) attributes {dimension_semantics = [#tpu.dimension_semantics<core_parallel>, #tpu.dimension_semantics<subcore_parallel>], iteration_bounds = array<i64: 2, 16>, scalar_prefetch = 0 : i64, scratch_operands = 8 : i64, tpu.core_type = #tpu.core_type<sc_vector_subcore>, window_params = [{transform_indices = #map}, {transform_indices = #map1}, {transform_indices = #map1}, {transform_indices = #map1}]} {
    %mul3A = arith.constant 16 : i32
    %mul3A_0 = arith.muli %arg0, %mul3A : i32
    %add3A = arith.addi %mul3A_0, %arg1 : i32
    %mul3A_1 = arith.constant 640 : i32
    %mul3A_2 = arith.muli %arg1, %mul3A_1 : i32
    %mul3A_3 = arith.constant 640 : i32
    %mul3A_4 = arith.muli %arg1, %mul3A_3 : i32
    "tpu.region"() ({
      %run_scoped3A = tpu.sem_alloc : memref<!tpu.dma_semaphore, #tpu.memory_space<semaphore_mem>>
      %dma_start3A_41 = arith.constant 0 : i32
      %dma_start3A_42 = tpu.memref_slice %arg11[%mul3A_4, %dma_start3A_41] : memref<10240x64xf32, #tpu.memory_space<vmem_shared>> -> memref<640x64xf32, #tpu.memory_space<vmem_shared>>
      %dma_start3A_43 = arith.constant 0 : i32
      %dma_start3A_44 = tpu.memref_slice %arg2[%mul3A_2, %dma_start3A_43] : memref<10240x64xf32, #tpu.memory_space<hbm>> -> memref<640x64xf32, #tpu.memory_space<hbm>>
      tpu.enqueue_dma source(%dma_start3A_44 : memref<640x64xf32, #tpu.memory_space<hbm>>) target(%dma_start3A_42 : memref<640x64xf32, #tpu.memory_space<vmem_shared>>) target_semaphore(%run_scoped3A : memref<!tpu.dma_semaphore, #tpu.memory_space<semaphore_mem>>)
      %dma_wait3A_45 = arith.constant 0 : i32
      %dma_wait3A_46 = tpu.memref_slice %arg11[%mul3A_4, %dma_wait3A_45] : memref<10240x64xf32, #tpu.memory_space<vmem_shared>> -> memref<640x64xf32, #tpu.memory_space<vmem_shared>>
      %dma_wait3A_47 = arith.constant 0 : i32
      %dma_wait3A_48 = tpu.memref_slice %arg2[%mul3A_2, %dma_wait3A_47] : memref<10240x64xf32, #tpu.memory_space<hbm>> -> memref<640x64xf32, #tpu.memory_space<hbm>>
      tpu.wait_dma2 semaphore(%run_scoped3A : memref<!tpu.dma_semaphore, #tpu.memory_space<semaphore_mem>>) src(%dma_wait3A_48 : memref<640x64xf32, #tpu.memory_space<hbm>>) dst(%dma_wait3A_46 : memref<640x64xf32, #tpu.memory_space<vmem_shared>>)
      tpu.yield
    }) : () -> ()
    "tpu.region"() ({
      %run_scoped3A = tpu.sem_alloc : memref<!tpu.dma_semaphore, #tpu.memory_space<semaphore_mem>>
      %dma_start3A_41 = arith.constant 0 : i32
      %dma_start3A_42 = arith.constant 0 : i32
      %dma_start3A_43 = tpu.memref_slice %arg3[%add3A, %dma_start3A_41, %dma_start3A_42] : memref<32x40x250xi32, #tpu.memory_space<hbm>> -> memref<1x40x250xi32, #tpu.memory_space<hbm>>
      %dma_start3A_44 = tpu.memref_squeeze %dma_start3A_43 : memref<1x40x250xi32, #tpu.memory_space<hbm>> -> memref<40x250xi32, #tpu.memory_space<hbm>>
      %dma_start3A_45 = arith.constant 0 : i32
      %dma_start3A_46 = arith.constant 0 : i32
      %dma_start3A_47 = tpu.memref_slice %arg3[%add3A, %dma_start3A_45, %dma_start3A_46] : memref<32x40x250xi32, #tpu.memory_space<hbm>> -> memref<1x40x250xi32, #tpu.memory_space<hbm>>
      %dma_start3A_48 = tpu.memref_squeeze %dma_start3A_47 : memref<1x40x250xi32, #tpu.memory_space<hbm>> -> memref<40x250xi32, #tpu.memory_space<hbm>>
      tpu.enqueue_dma source(%dma_start3A_48 : memref<40x250xi32, #tpu.memory_space<hbm>>) target(%arg6 : memref<40x250xi32, #tpu.memory_space<vmem>>) target_semaphore(%run_scoped3A : memref<!tpu.dma_semaphore, #tpu.memory_space<semaphore_mem>>)
      %dma_wait3A_49 = arith.constant 0 : i32
      %dma_wait3A_50 = arith.constant 0 : i32
      %dma_wait3A_51 = tpu.memref_slice %arg3[%add3A, %dma_wait3A_49, %dma_wait3A_50] : memref<32x40x250xi32, #tpu.memory_space<hbm>> -> memref<1x40x250xi32, #tpu.memory_space<hbm>>
      %dma_wait3A_52 = tpu.memref_squeeze %dma_wait3A_51 : memref<1x40x250xi32, #tpu.memory_space<hbm>> -> memref<40x250xi32, #tpu.memory_space<hbm>>
      %dma_wait3A_53 = arith.constant 0 : i32
      %dma_wait3A_54 = arith.constant 0 : i32
      %dma_wait3A_55 = tpu.memref_slice %arg3[%add3A, %dma_wait3A_53, %dma_wait3A_54] : memref<32x40x250xi32, #tpu.memory_space<hbm>> -> memref<1x40x250xi32, #tpu.memory_space<hbm>>
      %dma_wait3A_56 = tpu.memref_squeeze %dma_wait3A_55 : memref<1x40x250xi32, #tpu.memory_space<hbm>> -> memref<40x250xi32, #tpu.memory_space<hbm>>
      tpu.wait_dma2 semaphore(%run_scoped3A : memref<!tpu.dma_semaphore, #tpu.memory_space<semaphore_mem>>) src(%dma_wait3A_56 : memref<40x250xi32, #tpu.memory_space<hbm>>) dst(%arg6 : memref<40x250xi32, #tpu.memory_space<vmem>>)
      tpu.yield
    }) : () -> ()
    "tpu.region"() ({
      %run_scoped3A = tpu.sem_alloc : memref<!tpu.dma_semaphore, #tpu.memory_space<semaphore_mem>>
      %dma_start3A_41 = arith.constant 0 : i32
      %dma_start3A_42 = arith.constant 0 : i32
      %dma_start3A_43 = tpu.memref_slice %arg4[%add3A, %dma_start3A_41, %dma_start3A_42] : memref<32x40x250xi32, #tpu.memory_space<hbm>> -> memref<1x40x250xi32, #tpu.memory_space<hbm>>
      %dma_start3A_44 = tpu.memref_squeeze %dma_start3A_43 : memref<1x40x250xi32, #tpu.memory_space<hbm>> -> memref<40x250xi32, #tpu.memory_space<hbm>>
      %dma_start3A_45 = arith.constant 0 : i32
      %dma_start3A_46 = arith.constant 0 : i32
      %dma_start3A_47 = tpu.memref_slice %arg4[%add3A, %dma_start3A_45, %dma_start3A_46] : memref<32x40x250xi32, #tpu.memory_space<hbm>> -> memref<1x40x250xi32, #tpu.memory_space<hbm>>
      %dma_start3A_48 = tpu.memref_squeeze %dma_start3A_47 : memref<1x40x250xi32, #tpu.memory_space<hbm>> -> memref<40x250xi32, #tpu.memory_space<hbm>>
      tpu.enqueue_dma source(%dma_start3A_48 : memref<40x250xi32, #tpu.memory_space<hbm>>) target(%arg7 : memref<40x250xi32, #tpu.memory_space<vmem>>) target_semaphore(%run_scoped3A : memref<!tpu.dma_semaphore, #tpu.memory_space<semaphore_mem>>)
      %dma_wait3A_49 = arith.constant 0 : i32
      %dma_wait3A_50 = arith.constant 0 : i32
      %dma_wait3A_51 = tpu.memref_slice %arg4[%add3A, %dma_wait3A_49, %dma_wait3A_50] : memref<32x40x250xi32, #tpu.memory_space<hbm>> -> memref<1x40x250xi32, #tpu.memory_space<hbm>>
      %dma_wait3A_52 = tpu.memref_squeeze %dma_wait3A_51 : memref<1x40x250xi32, #tpu.memory_space<hbm>> -> memref<40x250xi32, #tpu.memory_space<hbm>>
      %dma_wait3A_53 = arith.constant 0 : i32
      %dma_wait3A_54 = arith.constant 0 : i32
      %dma_wait3A_55 = tpu.memref_slice %arg4[%add3A, %dma_wait3A_53, %dma_wait3A_54] : memref<32x40x250xi32, #tpu.memory_space<hbm>> -> memref<1x40x250xi32, #tpu.memory_space<hbm>>
      %dma_wait3A_56 = tpu.memref_squeeze %dma_wait3A_55 : memref<1x40x250xi32, #tpu.memory_space<hbm>> -> memref<40x250xi32, #tpu.memory_space<hbm>>
      tpu.wait_dma2 semaphore(%run_scoped3A : memref<!tpu.dma_semaphore, #tpu.memory_space<semaphore_mem>>) src(%dma_wait3A_56 : memref<40x250xi32, #tpu.memory_space<hbm>>) dst(%arg7 : memref<40x250xi32, #tpu.memory_space<vmem>>)
      tpu.yield
    }) : () -> ()
    %barrier3A = arith.constant 0 : index
    tpu.barrier barrier_id(%barrier3A)
    %dma_start3A = arith.constant 0 : i32
    %dma_start3A_5 = arith.constant 0 : i32
    %dma_start3A_6 = tpu.memref_slice %arg6[%dma_start3A, %dma_start3A_5] : memref<40x250xi32, #tpu.memory_space<vmem>> -> memref<1x250xi32, #tpu.memory_space<vmem>>
    %dma_start3A_7 = tpu.memref_squeeze %dma_start3A_6 : memref<1x250xi32, #tpu.memory_space<vmem>> -> memref<250xi32, #tpu.memory_space<vmem>>
    %dma_start3A_8 = arith.constant 0 : i32
    %dma_start3A_9 = arith.constant 0 : i32
    %dma_start3A_10 = tpu.memref_slice %arg2[%dma_start3A_8, %dma_start3A_9] : memref<10240x64xf32, #tpu.memory_space<hbm>> -> memref<10240x64xf32, #tpu.memory_space<hbm>>
    tpu.enqueue_indirect_dma source(%dma_start3A_10 : memref<10240x64xf32, #tpu.memory_space<hbm>>) target(%arg8 : memref<250x64xf32, #tpu.memory_space<vmem>>) offsets(%dma_start3A_7 : memref<250xi32, #tpu.memory_space<vmem>>) semaphore(%arg12 : memref<!tpu.dma_semaphore, #tpu.memory_space<semaphore_mem>>)
    %dma_start3A_11 = arith.constant 1 : i32
    %dma_start3A_12 = arith.constant 0 : i32
    %dma_start3A_13 = tpu.memref_slice %arg6[%dma_start3A_11, %dma_start3A_12] : memref<40x250xi32, #tpu.memory_space<vmem>> -> memref<1x250xi32, #tpu.memory_space<vmem>>
    %dma_start3A_14 = tpu.memref_squeeze %dma_start3A_13 : memref<1x250xi32, #tpu.memory_space<vmem>> -> memref<250xi32, #tpu.memory_space<vmem>>
    %dma_start3A_15 = arith.constant 0 : i32
    %dma_start3A_16 = arith.constant 0 : i32
    %dma_start3A_17 = tpu.memref_slice %arg2[%dma_start3A_15, %dma_start3A_16] : memref<10240x64xf32, #tpu.memory_space<hbm>> -> memref<10240x64xf32, #tpu.memory_space<hbm>>
    tpu.enqueue_indirect_dma source(%dma_start3A_17 : memref<10240x64xf32, #tpu.memory_space<hbm>>) target(%arg9 : memref<250x64xf32, #tpu.memory_space<vmem>>) offsets(%dma_start3A_14 : memref<250xi32, #tpu.memory_space<vmem>>) semaphore(%arg13 : memref<!tpu.dma_semaphore, #tpu.memory_space<semaphore_mem>>)
    %scan3A = arith.constant 0 : i32
    %scan3A_18 = arith.constant 0 : i32
    %scan3A_19 = arith.constant 20 : i32
    %scan3A_20 = arith.addi %scan3A_18, %scan3A_19 : i32
    %scan3A_21 = arith.constant 1 : i32
    scf.for %scan3A_41 = %scan3A_18 to %scan3A_20 step %scan3A_21  : i32 {
      %mul3A_42 = arith.constant 2 : i32
      %mul3A_43 = arith.muli %mul3A_42, %scan3A_41 : i32
      %add3A_44 = arith.constant 0 : i32
      %add3A_45 = arith.addi %mul3A_43, %add3A_44 : i32
      %dma_wait3A_46 = arith.constant 0 : i32
      %dma_wait3A_47 = tpu.memref_slice %arg6[%add3A_45, %dma_wait3A_46] : memref<40x250xi32, #tpu.memory_space<vmem>> -> memref<1x250xi32, #tpu.memory_space<vmem>>
      %dma_wait3A_48 = tpu.memref_squeeze %dma_wait3A_47 : memref<1x250xi32, #tpu.memory_space<vmem>> -> memref<250xi32, #tpu.memory_space<vmem>>
      %dma_wait3A_49 = arith.constant 0 : i32
      %dma_wait3A_50 = arith.constant 0 : i32
      %dma_wait3A_51 = tpu.memref_slice %arg2[%dma_wait3A_49, %dma_wait3A_50] : memref<10240x64xf32, #tpu.memory_space<hbm>> -> memref<10240x64xf32, #tpu.memory_space<hbm>>
      tpu.wait_indirect_dma semaphore(%arg12 : memref<!tpu.dma_semaphore, #tpu.memory_space<semaphore_mem>>) src(%dma_wait3A_51 : memref<10240x64xf32, #tpu.memory_space<hbm>>) dst(%arg8 : memref<250x64xf32, #tpu.memory_space<vmem>>)
      "tpu.region"() ({
        %run_scoped3A = tpu.sem_alloc : memref<!tpu.dma_semaphore, #tpu.memory_space<semaphore_mem>>
        %dma_start3A_81 = arith.constant 0 : i32
        %dma_start3A_82 = tpu.memref_slice %arg7[%add3A_45, %dma_start3A_81] : memref<40x250xi32, #tpu.memory_space<vmem>> -> memref<1x250xi32, #tpu.memory_space<vmem>>
        %dma_start3A_83 = tpu.memref_squeeze %dma_start3A_82 : memref<1x250xi32, #tpu.memory_space<vmem>> -> memref<250xi32, #tpu.memory_space<vmem>>
        %dma_start3A_84 = arith.constant 0 : i32
        %dma_start3A_85 = arith.constant 0 : i32
        %dma_start3A_86 = tpu.memref_slice %arg11[%dma_start3A_84, %dma_start3A_85] : memref<10240x64xf32, #tpu.memory_space<vmem_shared>> -> memref<10240x64xf32, #tpu.memory_space<vmem_shared>>
        tpu.enqueue_indirect_dma source(%arg8 : memref<250x64xf32, #tpu.memory_space<vmem>>) target(%dma_start3A_86 : memref<10240x64xf32, #tpu.memory_space<vmem_shared>>) offsets(%dma_start3A_83 : memref<250xi32, #tpu.memory_space<vmem>>) semaphore(%run_scoped3A : memref<!tpu.dma_semaphore, #tpu.memory_space<semaphore_mem>>) {add = true}
        %dma_wait3A_87 = arith.constant 0 : i32
        %dma_wait3A_88 = tpu.memref_slice %arg7[%add3A_45, %dma_wait3A_87] : memref<40x250xi32, #tpu.memory_space<vmem>> -> memref<1x250xi32, #tpu.memory_space<vmem>>
        %dma_wait3A_89 = tpu.memref_squeeze %dma_wait3A_88 : memref<1x250xi32, #tpu.memory_space<vmem>> -> memref<250xi32, #tpu.memory_space<vmem>>
        %dma_wait3A_90 = arith.constant 0 : i32
        %dma_wait3A_91 = arith.constant 0 : i32
        %dma_wait3A_92 = tpu.memref_slice %arg11[%dma_wait3A_90, %dma_wait3A_91] : memref<10240x64xf32, #tpu.memory_space<vmem_shared>> -> memref<10240x64xf32, #tpu.memory_space<vmem_shared>>
        tpu.wait_indirect_dma semaphore(%run_scoped3A : memref<!tpu.dma_semaphore, #tpu.memory_space<semaphore_mem>>) src(%arg8 : memref<250x64xf32, #tpu.memory_space<vmem>>) dst(%dma_wait3A_92 : memref<10240x64xf32, #tpu.memory_space<vmem_shared>>)
        tpu.yield
      }) : () -> ()
      %add3A_52 = arith.constant 2 : i32
      %add3A_53 = arith.addi %add3A_45, %add3A_52 : i32
      %min3A = arith.constant 39 : i32
      %min3A_54 = arith.minsi %add3A_53, %min3A : i32
      %dma_start3A_55 = arith.constant 0 : i32
      %dma_start3A_56 = tpu.memref_slice %arg6[%min3A_54, %dma_start3A_55] : memref<40x250xi32, #tpu.memory_space<vmem>> -> memref<1x250xi32, #tpu.memory_space<vmem>>
      %dma_start3A_57 = tpu.memref_squeeze %dma_start3A_56 : memref<1x250xi32, #tpu.memory_space<vmem>> -> memref<250xi32, #tpu.memory_space<vmem>>
      %dma_start3A_58 = arith.constant 0 : i32
      %dma_start3A_59 = arith.constant 0 : i32
      %dma_start3A_60 = tpu.memref_slice %arg2[%dma_start3A_58, %dma_start3A_59] : memref<10240x64xf32, #tpu.memory_space<hbm>> -> memref<10240x64xf32, #tpu.memory_space<hbm>>
      tpu.enqueue_indirect_dma source(%dma_start3A_60 : memref<10240x64xf32, #tpu.memory_space<hbm>>) target(%arg8 : memref<250x64xf32, #tpu.memory_space<vmem>>) offsets(%dma_start3A_57 : memref<250xi32, #tpu.memory_space<vmem>>) semaphore(%arg12 : memref<!tpu.dma_semaphore, #tpu.memory_space<semaphore_mem>>)
      %mul3A_61 = arith.constant 2 : i32
      %mul3A_62 = arith.muli %mul3A_61, %scan3A_41 : i32
      %add3A_63 = arith.constant 1 : i32
      %add3A_64 = arith.addi %mul3A_62, %add3A_63 : i32
      %dma_wait3A_65 = arith.constant 0 : i32
      %dma_wait3A_66 = tpu.memref_slice %arg6[%add3A_64, %dma_wait3A_65] : memref<40x250xi32, #tpu.memory_space<vmem>> -> memref<1x250xi32, #tpu.memory_space<vmem>>
      %dma_wait3A_67 = tpu.memref_squeeze %dma_wait3A_66 : memref<1x250xi32, #tpu.memory_space<vmem>> -> memref<250xi32, #tpu.memory_space<vmem>>
      %dma_wait3A_68 = arith.constant 0 : i32
      %dma_wait3A_69 = arith.constant 0 : i32
      %dma_wait3A_70 = tpu.memref_slice %arg2[%dma_wait3A_68, %dma_wait3A_69] : memref<10240x64xf32, #tpu.memory_space<hbm>> -> memref<10240x64xf32, #tpu.memory_space<hbm>>
      tpu.wait_indirect_dma semaphore(%arg13 : memref<!tpu.dma_semaphore, #tpu.memory_space<semaphore_mem>>) src(%dma_wait3A_70 : memref<10240x64xf32, #tpu.memory_space<hbm>>) dst(%arg9 : memref<250x64xf32, #tpu.memory_space<vmem>>)
      "tpu.region"() ({
        %run_scoped3A = tpu.sem_alloc : memref<!tpu.dma_semaphore, #tpu.memory_space<semaphore_mem>>
        %dma_start3A_81 = arith.constant 0 : i32
        %dma_start3A_82 = tpu.memref_slice %arg7[%add3A_64, %dma_start3A_81] : memref<40x250xi32, #tpu.memory_space<vmem>> -> memref<1x250xi32, #tpu.memory_space<vmem>>
        %dma_start3A_83 = tpu.memref_squeeze %dma_start3A_82 : memref<1x250xi32, #tpu.memory_space<vmem>> -> memref<250xi32, #tpu.memory_space<vmem>>
        %dma_start3A_84 = arith.constant 0 : i32
        %dma_start3A_85 = arith.constant 0 : i32
        %dma_start3A_86 = tpu.memref_slice %arg11[%dma_start3A_84, %dma_start3A_85] : memref<10240x64xf32, #tpu.memory_space<vmem_shared>> -> memref<10240x64xf32, #tpu.memory_space<vmem_shared>>
        tpu.enqueue_indirect_dma source(%arg9 : memref<250x64xf32, #tpu.memory_space<vmem>>) target(%dma_start3A_86 : memref<10240x64xf32, #tpu.memory_space<vmem_shared>>) offsets(%dma_start3A_83 : memref<250xi32, #tpu.memory_space<vmem>>) semaphore(%run_scoped3A : memref<!tpu.dma_semaphore, #tpu.memory_space<semaphore_mem>>) {add = true}
        %dma_wait3A_87 = arith.constant 0 : i32
        %dma_wait3A_88 = tpu.memref_slice %arg7[%add3A_64, %dma_wait3A_87] : memref<40x250xi32, #tpu.memory_space<vmem>> -> memref<1x250xi32, #tpu.memory_space<vmem>>
        %dma_wait3A_89 = tpu.memref_squeeze %dma_wait3A_88 : memref<1x250xi32, #tpu.memory_space<vmem>> -> memref<250xi32, #tpu.memory_space<vmem>>
        %dma_wait3A_90 = arith.constant 0 : i32
        %dma_wait3A_91 = arith.constant 0 : i32
        %dma_wait3A_92 = tpu.memref_slice %arg11[%dma_wait3A_90, %dma_wait3A_91] : memref<10240x64xf32, #tpu.memory_space<vmem_shared>> -> memref<10240x64xf32, #tpu.memory_space<vmem_shared>>
        tpu.wait_indirect_dma semaphore(%run_scoped3A : memref<!tpu.dma_semaphore, #tpu.memory_space<semaphore_mem>>) src(%arg9 : memref<250x64xf32, #tpu.memory_space<vmem>>) dst(%dma_wait3A_92 : memref<10240x64xf32, #tpu.memory_space<vmem_shared>>)
        tpu.yield
      }) : () -> ()
      %add3A_71 = arith.constant 2 : i32
      %add3A_72 = arith.addi %add3A_64, %add3A_71 : i32
      %min3A_73 = arith.constant 39 : i32
      %min3A_74 = arith.minsi %add3A_72, %min3A_73 : i32
      %dma_start3A_75 = arith.constant 0 : i32
      %dma_start3A_76 = tpu.memref_slice %arg6[%min3A_74, %dma_start3A_75] : memref<40x250xi32, #tpu.memory_space<vmem>> -> memref<1x250xi32, #tpu.memory_space<vmem>>
      %dma_start3A_77 = tpu.memref_squeeze %dma_start3A_76 : memref<1x250xi32, #tpu.memory_space<vmem>> -> memref<250xi32, #tpu.memory_space<vmem>>
      %dma_start3A_78 = arith.constant 0 : i32
      %dma_start3A_79 = arith.constant 0 : i32
      %dma_start3A_80 = tpu.memref_slice %arg2[%dma_start3A_78, %dma_start3A_79] : memref<10240x64xf32, #tpu.memory_space<hbm>> -> memref<10240x64xf32, #tpu.memory_space<hbm>>
      tpu.enqueue_indirect_dma source(%dma_start3A_80 : memref<10240x64xf32, #tpu.memory_space<hbm>>) target(%arg9 : memref<250x64xf32, #tpu.memory_space<vmem>>) offsets(%dma_start3A_77 : memref<250xi32, #tpu.memory_space<vmem>>) semaphore(%arg13 : memref<!tpu.dma_semaphore, #tpu.memory_space<semaphore_mem>>)
    }
    %scan3A_22 = arith.constant 20 : i32
    %dma_wait3A = arith.constant 39 : i32
    %dma_wait3A_23 = arith.constant 0 : i32
    %dma_wait3A_24 = tpu.memref_slice %arg6[%dma_wait3A, %dma_wait3A_23] : memref<40x250xi32, #tpu.memory_space<vmem>> -> memref<1x250xi32, #tpu.memory_space<vmem>>
    %dma_wait3A_25 = tpu.memref_squeeze %dma_wait3A_24 : memref<1x250xi32, #tpu.memory_space<vmem>> -> memref<250xi32, #tpu.memory_space<vmem>>
    %dma_wait3A_26 = arith.constant 0 : i32
    %dma_wait3A_27 = arith.constant 0 : i32
    %dma_wait3A_28 = tpu.memref_slice %arg2[%dma_wait3A_26, %dma_wait3A_27] : memref<10240x64xf32, #tpu.memory_space<hbm>> -> memref<10240x64xf32, #tpu.memory_space<hbm>>
    tpu.wait_indirect_dma semaphore(%arg12 : memref<!tpu.dma_semaphore, #tpu.memory_space<semaphore_mem>>) src(%dma_wait3A_28 : memref<10240x64xf32, #tpu.memory_space<hbm>>) dst(%arg8 : memref<250x64xf32, #tpu.memory_space<vmem>>)
    %dma_wait3A_29 = arith.constant 39 : i32
    %dma_wait3A_30 = arith.constant 0 : i32
    %dma_wait3A_31 = tpu.memref_slice %arg6[%dma_wait3A_29, %dma_wait3A_30] : memref<40x250xi32, #tpu.memory_space<vmem>> -> memref<1x250xi32, #tpu.memory_space<vmem>>
    %dma_wait3A_32 = tpu.memref_squeeze %dma_wait3A_31 : memref<1x250xi32, #tpu.memory_space<vmem>> -> memref<250xi32, #tpu.memory_space<vmem>>
    %dma_wait3A_33 = arith.constant 0 : i32
    %dma_wait3A_34 = arith.constant 0 : i32
    %dma_wait3A_35 = tpu.memref_slice %arg2[%dma_wait3A_33, %dma_wait3A_34] : memref<10240x64xf32, #tpu.memory_space<hbm>> -> memref<10240x64xf32, #tpu.memory_space<hbm>>
    tpu.wait_indirect_dma semaphore(%arg13 : memref<!tpu.dma_semaphore, #tpu.memory_space<semaphore_mem>>) src(%dma_wait3A_35 : memref<10240x64xf32, #tpu.memory_space<hbm>>) dst(%arg9 : memref<250x64xf32, #tpu.memory_space<vmem>>)
    %barrier3A_36 = arith.constant 0 : index
    tpu.barrier barrier_id(%barrier3A_36)
    %mul3A_37 = arith.constant 640 : i32
    %mul3A_38 = arith.muli %arg1, %mul3A_37 : i32
    %mul3A_39 = arith.constant 640 : i32
    %mul3A_40 = arith.muli %arg1, %mul3A_39 : i32
    "tpu.region"() ({
      %run_scoped3A = tpu.sem_alloc : memref<!tpu.dma_semaphore, #tpu.memory_space<semaphore_mem>>
      %dma_start3A_41 = arith.constant 0 : i32
      %dma_start3A_42 = arith.constant 0 : i32
      %dma_start3A_43 = tpu.memref_slice %arg5[%arg0, %dma_start3A_41, %dma_start3A_42] : memref<2x10240x64xf32, #tpu.memory_space<hbm>> -> memref<1x10240x64xf32, #tpu.memory_space<hbm>>
      %dma_start3A_44 = tpu.memref_squeeze %dma_start3A_43 : memref<1x10240x64xf32, #tpu.memory_space<hbm>> -> memref<10240x64xf32, #tpu.memory_space<hbm>>
      %dma_start3A_45 = arith.constant 0 : i32
      %dma_start3A_46 = tpu.memref_slice %dma_start3A_44[%mul3A_40, %dma_start3A_45] : memref<10240x64xf32, #tpu.memory_space<hbm>> -> memref<640x64xf32, #tpu.memory_space<hbm>>
      %dma_start3A_47 = arith.constant 0 : i32
      %dma_start3A_48 = tpu.memref_slice %arg11[%mul3A_38, %dma_start3A_47] : memref<10240x64xf32, #tpu.memory_space<vmem_shared>> -> memref<640x64xf32, #tpu.memory_space<vmem_shared>>
      tpu.enqueue_dma source(%dma_start3A_48 : memref<640x64xf32, #tpu.memory_space<vmem_shared>>) target(%dma_start3A_46 : memref<640x64xf32, #tpu.memory_space<hbm>>) target_semaphore(%run_scoped3A : memref<!tpu.dma_semaphore, #tpu.memory_space<semaphore_mem>>)
      %dma_wait3A_49 = arith.constant 0 : i32
      %dma_wait3A_50 = arith.constant 0 : i32
      %dma_wait3A_51 = tpu.memref_slice %arg5[%arg0, %dma_wait3A_49, %dma_wait3A_50] : memref<2x10240x64xf32, #tpu.memory_space<hbm>> -> memref<1x10240x64xf32, #tpu.memory_space<hbm>>
      %dma_wait3A_52 = tpu.memref_squeeze %dma_wait3A_51 : memref<1x10240x64xf32, #tpu.memory_space<hbm>> -> memref<10240x64xf32, #tpu.memory_space<hbm>>
      %dma_wait3A_53 = arith.constant 0 : i32
      %dma_wait3A_54 = tpu.memref_slice %dma_wait3A_52[%mul3A_40, %dma_wait3A_53] : memref<10240x64xf32, #tpu.memory_space<hbm>> -> memref<640x64xf32, #tpu.memory_space<hbm>>
      %dma_wait3A_55 = arith.constant 0 : i32
      %dma_wait3A_56 = tpu.memref_slice %arg11[%mul3A_38, %dma_wait3A_55] : memref<10240x64xf32, #tpu.memory_space<vmem_shared>> -> memref<640x64xf32, #tpu.memory_space<vmem_shared>>
      tpu.wait_dma2 semaphore(%run_scoped3A : memref<!tpu.dma_semaphore, #tpu.memory_space<semaphore_mem>>) src(%dma_wait3A_56 : memref<640x64xf32, #tpu.memory_space<vmem_shared>>) dst(%dma_wait3A_54 : memref<640x64xf32, #tpu.memory_space<hbm>>)
      tpu.yield
    }) : () -> ()
    return
  }
}

module attributes {stable_mosaic.version = 14 : i64} {
  func.func @_tc1_body(%arg0: memref<10000x128xf32, #tpu.memory_space<vmem>>, %arg1: memref<128x64xf32, #tpu.memory_space<vmem>>, %arg2: memref<2x10240xf32, #tpu.memory_space<vmem>>, %arg3: memref<10240x64xf32, #tpu.memory_space<vmem>>, %arg4: memref<10000x1xf32, #tpu.memory_space<vmem>>) attributes {dimension_semantics = [], scalar_prefetch = 0 : i64, scratch_operands = 0 : i64, tpu.core_type = #tpu.core_type<tc>} {
    %get3A = arith.constant 0 : index
    %get3A_0 = arith.constant 0 : index
    %get3A_1 = vector.load %arg2[%get3A, %get3A_0] : memref<2x10240xf32, #tpu.memory_space<vmem>>, vector<1x10000xf32>
    %get3A_2 = vector.shape_cast %get3A_1 : vector<1x10000xf32> to vector<10000xf32>
    %get3A_3 = arith.constant 1 : index
    %get3A_4 = arith.constant 0 : index
    %get3A_5 = vector.load %arg2[%get3A_3, %get3A_4] : memref<2x10240xf32, #tpu.memory_space<vmem>>, vector<1x10000xf32>
    %get3A_6 = vector.shape_cast %get3A_5 : vector<1x10000xf32> to vector<10000xf32>
    %add3A = arith.addf %get3A_2, %get3A_6 : vector<10000xf32>
    %sub3A = arith.constant 1.000000e+00 : f32
    %sub3A_7 = vector.broadcast %sub3A : f32 to vector<10000xf32>
    %sub3A_8 = arith.subf %add3A, %sub3A_7 : vector<10000xf32>
    %rsqrt3A = math.rsqrt %sub3A_8 : vector<10000xf32>
    %broadcast_in_dim3A = vector.shape_cast %rsqrt3A : vector<10000xf32> to vector<10000x1xf32>
    %get3A_9 = arith.constant 0 : index
    %get3A_10 = arith.constant 0 : index
    %get3A_11 = vector.load %arg0[%get3A_9, %get3A_10] : memref<10000x128xf32, #tpu.memory_space<vmem>>, vector<10000x128xf32>
    %get3A_12 = arith.constant 0 : index
    %get3A_13 = arith.constant 0 : index
    %get3A_14 = vector.load %arg1[%get3A_12, %get3A_13] : memref<128x64xf32, #tpu.memory_space<vmem>>, vector<128x64xf32>
    %dot_general3A = arith.constant dense<0.000000e+00> : vector<10000x64xf32>
    %dot_general3A_15 = tpu.matmul %get3A_11, %get3A_14, %dot_general3A {dimension_numbers = #tpu.dot_dimension_numbers<[1], [0], [0], [1], [0, 0, 1, 1], [], []>, transpose_lhs_hint = false} : vector<10000x128xf32>, vector<128x64xf32>, vector<10000x64xf32> -> vector<10000x64xf32>
    %mul3A = vector.broadcast %broadcast_in_dim3A : vector<10000x1xf32> to vector<10000x64xf32>
    %mul3A_16 = arith.mulf %dot_general3A_15, %mul3A : vector<10000x64xf32>
    %swap3A = arith.constant 0 : index
    %swap3A_17 = arith.constant 0 : index
    %swap3A_18 = vector.load %arg3[%swap3A, %swap3A_17] : memref<10240x64xf32, #tpu.memory_space<vmem>>, vector<10000x64xf32>
    tpu.vector_store %arg3[%swap3A, %swap3A_17], %mul3A_16 {strides = array<i32>} : memref<10240x64xf32, #tpu.memory_space<vmem>>, vector<10000x64xf32>,
    %swap3A_19 = arith.constant 0 : index
    %swap3A_20 = arith.constant 0 : index
    %swap3A_21 = vector.load %arg4[%swap3A_19, %swap3A_20] : memref<10000x1xf32, #tpu.memory_space<vmem>>, vector<10000x1xf32>
    tpu.vector_store %arg4[%swap3A_19, %swap3A_20], %broadcast_in_dim3A {strides = array<i32>} : memref<10000x1xf32, #tpu.memory_space<vmem>>, vector<10000x1xf32>,
    return
  }
}

module attributes {stable_mosaic.version = 14 : i64} {
  func.func @_tc2_body(%arg0: memref<2x10240x64xf32, #tpu.memory_space<vmem>>, %arg1: memref<10240x64xf32, #tpu.memory_space<vmem>>, %arg2: memref<10000x1xf32, #tpu.memory_space<vmem>>, %arg3: memref<64x32xf32, #tpu.memory_space<vmem>>, %arg4: memref<1x64xf32, #tpu.memory_space<vmem>>, %arg5: memref<10240x32xf32, #tpu.memory_space<vmem>>) attributes {dimension_semantics = [], scalar_prefetch = 0 : i64, scratch_operands = 0 : i64, tpu.core_type = #tpu.core_type<tc>} {
    %get3A = arith.constant 0 : index
    %get3A_0 = arith.constant 0 : index
    %get3A_1 = arith.constant 0 : index
    %get3A_2 = vector.load %arg0[%get3A, %get3A_0, %get3A_1] : memref<2x10240x64xf32, #tpu.memory_space<vmem>>, vector<1x10000x64xf32>
    %get3A_3 = vector.shape_cast %get3A_2 : vector<1x10000x64xf32> to vector<10000x64xf32>
    %get3A_4 = arith.constant 1 : index
    %get3A_5 = arith.constant 0 : index
    %get3A_6 = arith.constant 0 : index
    %get3A_7 = vector.load %arg0[%get3A_4, %get3A_5, %get3A_6] : memref<2x10240x64xf32, #tpu.memory_space<vmem>>, vector<1x10000x64xf32>
    %get3A_8 = vector.shape_cast %get3A_7 : vector<1x10000x64xf32> to vector<10000x64xf32>
    %add3A = arith.addf %get3A_3, %get3A_8 : vector<10000x64xf32>
    %get3A_9 = arith.constant 0 : index
    %get3A_10 = arith.constant 0 : index
    %get3A_11 = vector.load %arg1[%get3A_9, %get3A_10] : memref<10240x64xf32, #tpu.memory_space<vmem>>, vector<10000x64xf32>
    %sub3A = arith.subf %add3A, %get3A_11 : vector<10000x64xf32>
    %get3A_12 = arith.constant 0 : index
    %get3A_13 = arith.constant 0 : index
    %get3A_14 = vector.load %arg2[%get3A_12, %get3A_13] : memref<10000x1xf32, #tpu.memory_space<vmem>>, vector<10000x1xf32>
    %mul3A = vector.broadcast %get3A_14 : vector<10000x1xf32> to vector<10000x64xf32>
    %mul3A_15 = arith.mulf %sub3A, %mul3A : vector<10000x64xf32>
    %get3A_16 = arith.constant 0 : index
    %get3A_17 = arith.constant 0 : index
    %get3A_18 = vector.load %arg4[%get3A_16, %get3A_17] : memref<1x64xf32, #tpu.memory_space<vmem>>, vector<1x64xf32>
    %add3A_19 = vector.broadcast %get3A_18 : vector<1x64xf32> to vector<10000x64xf32>
    %add3A_20 = arith.addf %mul3A_15, %add3A_19 : vector<10000x64xf32>
    %max3A = arith.constant 0.000000e+00 : f32
    %max3A_21 = vector.broadcast %max3A : f32 to vector<10000x64xf32>
    %max3A_22 = arith.maximumf %add3A_20, %max3A_21 : vector<10000x64xf32>
    %get3A_23 = arith.constant 0 : index
    %get3A_24 = arith.constant 0 : index
    %get3A_25 = vector.load %arg3[%get3A_23, %get3A_24] : memref<64x32xf32, #tpu.memory_space<vmem>>, vector<64x32xf32>
    %dot_general3A = arith.constant dense<0.000000e+00> : vector<10000x32xf32>
    %dot_general3A_26 = tpu.matmul %max3A_22, %get3A_25, %dot_general3A {dimension_numbers = #tpu.dot_dimension_numbers<[1], [0], [0], [1], [0, 0, 1, 1], [], []>, transpose_lhs_hint = false} : vector<10000x64xf32>, vector<64x32xf32>, vector<10000x32xf32> -> vector<10000x32xf32>
    %get3A_27 = arith.constant 0 : index
    %get3A_28 = arith.constant 0 : index
    %get3A_29 = vector.load %arg2[%get3A_27, %get3A_28] : memref<10000x1xf32, #tpu.memory_space<vmem>>, vector<10000x1xf32>
    %mul3A_30 = vector.broadcast %get3A_29 : vector<10000x1xf32> to vector<10000x32xf32>
    %mul3A_31 = arith.mulf %dot_general3A_26, %mul3A_30 : vector<10000x32xf32>
    %swap3A = arith.constant 0 : index
    %swap3A_32 = arith.constant 0 : index
    %swap3A_33 = vector.load %arg5[%swap3A, %swap3A_32] : memref<10240x32xf32, #tpu.memory_space<vmem>>, vector<10000x32xf32>
    tpu.vector_store %arg5[%swap3A, %swap3A_32], %mul3A_31 {strides = array<i32>} : memref<10240x32xf32, #tpu.memory_space<vmem>>, vector<10000x32xf32>,
    return
  }
}

module attributes {stable_mosaic.version = 14 : i64} {
  func.func @_tc3_body(%arg0: memref<2x10240x32xf32, #tpu.memory_space<vmem>>, %arg1: memref<10240x32xf32, #tpu.memory_space<vmem>>, %arg2: memref<10000x1xf32, #tpu.memory_space<vmem>>, %arg3: memref<1x32xf32, #tpu.memory_space<vmem>>, %arg4: memref<10000x32xf32, #tpu.memory_space<vmem>>) attributes {dimension_semantics = [], scalar_prefetch = 0 : i64, scratch_operands = 0 : i64, tpu.core_type = #tpu.core_type<tc>} {
    %get3A = arith.constant 0 : index
    %get3A_0 = arith.constant 0 : index
    %get3A_1 = arith.constant 0 : index
    %get3A_2 = vector.load %arg0[%get3A, %get3A_0, %get3A_1] : memref<2x10240x32xf32, #tpu.memory_space<vmem>>, vector<1x10000x32xf32>
    %get3A_3 = vector.shape_cast %get3A_2 : vector<1x10000x32xf32> to vector<10000x32xf32>
    %get3A_4 = arith.constant 1 : index
    %get3A_5 = arith.constant 0 : index
    %get3A_6 = arith.constant 0 : index
    %get3A_7 = vector.load %arg0[%get3A_4, %get3A_5, %get3A_6] : memref<2x10240x32xf32, #tpu.memory_space<vmem>>, vector<1x10000x32xf32>
    %get3A_8 = vector.shape_cast %get3A_7 : vector<1x10000x32xf32> to vector<10000x32xf32>
    %add3A = arith.addf %get3A_3, %get3A_8 : vector<10000x32xf32>
    %get3A_9 = arith.constant 0 : index
    %get3A_10 = arith.constant 0 : index
    %get3A_11 = vector.load %arg1[%get3A_9, %get3A_10] : memref<10240x32xf32, #tpu.memory_space<vmem>>, vector<10000x32xf32>
    %sub3A = arith.subf %add3A, %get3A_11 : vector<10000x32xf32>
    %get3A_12 = arith.constant 0 : index
    %get3A_13 = arith.constant 0 : index
    %get3A_14 = vector.load %arg2[%get3A_12, %get3A_13] : memref<10000x1xf32, #tpu.memory_space<vmem>>, vector<10000x1xf32>
    %mul3A = vector.broadcast %get3A_14 : vector<10000x1xf32> to vector<10000x32xf32>
    %mul3A_15 = arith.mulf %sub3A, %mul3A : vector<10000x32xf32>
    %get3A_16 = arith.constant 0 : index
    %get3A_17 = arith.constant 0 : index
    %get3A_18 = vector.load %arg3[%get3A_16, %get3A_17] : memref<1x32xf32, #tpu.memory_space<vmem>>, vector<1x32xf32>
    %add3A_19 = vector.broadcast %get3A_18 : vector<1x32xf32> to vector<10000x32xf32>
    %add3A_20 = arith.addf %mul3A_15, %add3A_19 : vector<10000x32xf32>
    %swap3A = arith.constant 0 : index
    %swap3A_21 = arith.constant 0 : index
    %swap3A_22 = vector.load %arg4[%swap3A, %swap3A_21] : memref<10000x32xf32, #tpu.memory_space<vmem>>, vector<10000x32xf32>
    tpu.vector_store %arg4[%swap3A, %swap3A_21], %add3A_20 {strides = array<i32>} : memref<10000x32xf32, #tpu.memory_space<vmem>>, vector<10000x32xf32>,
    return
  }
}

</mosaic_0001>

<sc_bundles>
// kernel: kernel.11.cloned.1.call-start
scs
__scs_entry_jumppad:
0x0: {  	(pc) =	sbr.rel $0x88, $3  }
0x1: {  	(tag) =	ssettag $0x0;
	lr =	simm.s32 $0x1  }
0x2: {  	[smem:$0x3F9B] =	sst lr;
	_ =	strace $0xD0000000  }
0x3: {  	_ = 	snop  }
0x4: {  	_ = 	snop  }
0x5: {  	_ = 	snop  }
0x6: {  	_ = 	snop  }
0x7: {  	_ = 	snop  }
__scs_overlays_trampoline_lowered:
0x8: {  	[smem:$0x3FAA] =	sst s0  }
0x9: {  	[smem:$0x3FAB] =	sst s1  }
0xa: {  	[smem:$0x3FAC] =	sst s2  }
0xb: {  	[smem:$0x3FAD] =	sst s3  }
0xc: {  	[smem:$0x3FAE] =	sst s4  }
0xd: {  	[smem:$0x3FAF] =	sst s5  }
0xe: {  	[smem:$0x3FB0] =	sst s6  }
0xf: {  	[smem:$0x3FB1] =	sst s7  }
0x10: {  	[smem:$0x3FB2] =	sst s8  }
0x11: {  	[smem:$0x3FB3] =	sst s9;
	s0 =	simm.s32 @!p0 $0x0  }
0x12: {  	s1 =	sld [smem:$0x3F99];
	s0 =	simm.s32 @p0 $0x1  }
0x13: {  	[smem:$0x3FB4] =	sst s0;
	s0 =	simm.s32 @!p1 $0x0  }
0x14: {  	s2 =	sld [smem:$0x3F98];
	s0 =	simm.s32 @p1 $0x1  }
0x15: {  	[smem:$0x3FB5] =	sst s0;
	s0 =	simm.s32 @!p2 $0x0  }
0x16: {  	s3 =	sld [smem:$0x3FDB];
	s0 =	simm.s32 @p2 $0x1  }
0x17: {  	s4 =	simm.s32 $0x1BF5;
	[smem:$0x3FB7] =	sst s0  }
0x18: {  	s0 =	sld [smem:$0x3F9A];
	_ =	swait.ge [sflag:s4], $0x0  }
0x19: {  	s7 =	sld [smem:$0x3F9B]  }
0x1a: {  	s8 =	sadd.s32 $0xFFFFE003, lr  }
0x1b: {  	s9 =	sadd.s32 $0xFFFFFEF7, lr;
	s5 =	simm.s32 $0xFFFFFFFF;
	p2 =	slt.u32 s8, $0xFFFFF086  }
0x1c: {  	p1 =	slt.u32 s9, $0xF7A;
	s5 =	simm.s32 @!p2 $0x0  }
0x1d: {  	s5 =	simm.s32 @p1 $0x1;
	p0 =	seq.s32 s7, s2  }
0x1e: {  	s7 =	smul.u32 @!p0 $0xF7A, s2;
	p2 =	seq.s32 @!p0 s5, $0x0  }
0x1f: {  	s9 =	smul.u32 $0xF7A, s1;
	s8 =	simm.s32 @!p0 $0x1BF5;
	p2 =	por !p2, p0  }
0x20: {  	[sflag:s8] =	ssyncset.s32 @!p0 $0xFFFFF086;
	s6 =	sadd.s32 @!p0 s3, s7;
	s7 =	simm.s32 @!p0 $0x108  }
0x21: {  	s3 =	sadd.s32 s3, s9;
	s6 =	sadd.s32 @!p0 $0x88, s6;
	s7 =	simm.s32 @p2 $0x1082  }
0x22: {  	[simem:s7], [sflag:s8] =	dma.local @!p0 [hbm:s6], $0xF7A  }
0x23: {  	s9 =	sor.u32 $0xD0000000, s2;
	s6 =	simm.s32 $0x108;
	_ =	swait.ge @!p0 [sflag:s8], $0x0  }
0x24: {  	s3 =	sadd.s32 $0x88, s3;
	s6 =	simm.s32 @!p1 $0x1082;
	[sflag:s4] =	ssyncset.s32 $0xFFFFF086  }
0x25: {  	[simem:s6], [sflag:s4] =	dma.local [hbm:s3], $0xF7A  }
0x26: {  	[smem:$0x3F9B] =	sst s1;
	(tag) =	ssettag s2;
	_ =	strace s9  }
0x27: {  	s1 =	sld [smem:$0x3FAB]  }
0x28: {  	s2 =	sld [smem:$0x3FAC]  }
0x29: {  	s4 =	sld [smem:$0x3FAE]  }
0x2a: {  	p0 =	seq.s32 s5, $0x0;
	s5 =	sld [smem:$0x3FAF]  }
0x2b: {  	s6 =	sld [smem:$0x3FB0]  }
0x2c: {  	s7 =	sld [smem:$0x3FB1]  }
0x2d: {  	s3 =	simm.s32 $0x108;
	s8 =	sld [smem:$0x3FB2]  }
0x2e: {  	s3 =	simm.s32 @!p0 $0x1082;
	s9 =	sld [smem:$0x3FB3]  }
0x2f: {  	lr =	sadd.s32 s0, s3;
	s0 =	sld [smem:$0x3FAA]  }
0x30: {  	s3 =	sld [smem:$0x3FAD]  }
0x31: {  	[smem:$0x3FB6] =	sst s10  }
0x32: {  	s10 =	sld [smem:$0x3FB4];
	_ =	sdelay $0x3  }
0x33: {  	p0 =	seq.s32 s10, $0x1;
	s10 =	sld [smem:$0x3FB6];
	_ =	sdelay $0x3  }
0x34: {  	[smem:$0x3FB6] =	sst s10  }
0x35: {  	s10 =	sld [smem:$0x3FB5];
	_ =	sdelay $0x3  }
0x36: {  	p1 =	seq.s32 s10, $0x1;
	s10 =	sld [smem:$0x3FB6];
	_ =	sdelay $0x3  }
0x37: {  	[smem:$0x3FB6] =	sst s10  }
0x38: {  	s10 =	sld [smem:$0x3FB7]  }
0x39: {  	_ = 	snop;
	(pc) =	sbr.ind lr, $3  }
0x3a: {  	_ = 	snop  }
0x3b: {  	_ = 	snop  }
0x3c: {  	p2 =	seq.s32 s10, $0x1;
	s10 =	sld [smem:$0x3FB6]  }
0x3d: {  	_ =	shalt  }
0x3e: {  	_ =	shalt  }
0x3f: {  	_ =	shalt  }
0x40: {  	_ =	shalt  }
0x41: {  	_ =	shalt  }
0x42: {  	_ =	shalt  }
0x43: {  	_ =	shalt  }
0x44: {  	_ =	shalt  }
0x45: {  	_ =	shalt  }
0x46: {  	_ =	shalt  }
0x47: {  	_ =	shalt  }
0x48: {  	_ =	shalt  }
0x49: {  	_ =	shalt  }
0x4a: {  	_ =	shalt  }
0x4b: {  	_ =	shalt  }
0x4c: {  	_ =	shalt  }
0x4d: {  	_ =	shalt  }
0x4e: {  	_ =	shalt  }
0x4f: {  	_ =	shalt  }
0x50: {  	_ =	shalt  }
0x51: {  	_ =	shalt  }
0x52: {  	_ =	shalt  }
0x53: {  	_ =	shalt  }
0x54: {  	_ =	shalt  }
0x55: {  	_ =	shalt  }
0x56: {  	_ =	shalt  }
0x57: {  	_ =	shalt  }
0x58: {  	_ =	shalt  }
0x59: {  	_ =	shalt  }
0x5a: {  	_ =	shalt  }
0x5b: {  	_ =	shalt  }
0x5c: {  	_ =	shalt  }
0x5d: {  	_ =	shalt  }
0x5e: {  	_ =	shalt  }
0x5f: {  	_ =	shalt  }
0x60: {  	_ =	shalt  }
0x61: {  	_ =	shalt  }
0x62: {  	_ =	shalt  }
0x63: {  	_ =	shalt  }
0x64: {  	_ =	shalt  }
0x65: {  	_ =	shalt  }
0x66: {  	_ =	shalt  }
0x67: {  	_ =	shalt  }
0x68: {  	_ =	shalt  }
0x69: {  	_ =	shalt  }
0x6a: {  	_ =	shalt  }
0x6b: {  	_ =	shalt  }
0x6c: {  	_ =	shalt  }
0x6d: {  	_ =	shalt  }
0x6e: {  	_ =	shalt  }
0x6f: {  	_ =	shalt  }
0x70: {  	_ =	shalt  }
0x71: {  	_ =	shalt  }
0x72: {  	_ =	shalt  }
0x73: {  	_ =	shalt  }
0x74: {  	_ =	shalt  }
0x75: {  	_ =	shalt  }
0x76: {  	_ =	shalt  }
0x77: {  	_ =	shalt  }
0x78: {  	_ =	shalt  }
0x79: {  	_ =	shalt  }
0x7a: {  	_ =	shalt  }
0x7b: {  	_ =	shalt  }
0x7c: {  	_ =	shalt  }
0x7d: {  	_ =	shalt  }
0x7e: {  	_ =	shalt  }
0x7f: {  	_ =	shalt  }
0x80: {  	_ =	shalt  }
0x81: {  	_ =	shalt  }
0x82: {  	_ =	shalt  }
0x83: {  	_ =	shalt  }
0x84: {  	_ =	shalt  }
0x85: {  	_ =	shalt  }
0x86: {  	_ =	shalt  }
0x87: {  	_ =	shalt  }
.Lfunc_end0:
.L_simem_size_0:
called_computation.1_lowered:
.L_overlay_start_0:
0x88: {  	s2 =	sld [smem:$0x3FD9]  }
0x89: {  	s3 =	sld [smem:$0x3FFE];
	_ =	sdelay $0x1  }
0x8a: {  	s1 =	srdreg.scid  }
0x8b: {  	s0 =	sand.u32 $0x1, s1  }
0x8c: {  	s16 =	sshll.u32 s0, $0xA;
	s2 =	sadd.s32 s3, s2  }
0x8d: {  	s2 =	sadd.s32 s2, s16  }
0x8e: {  	[smem:$0x3FC2] =	sst s2  }
0x8f: {  	_ = 	snop  }
0x90: {  	(tm) =	ssettm $0x1  }
0x91: {  	s17 =	sld [smem:$0x3FFB];
	_ =	sdelay $0x3  }
0x92: {  	_ =	strace s17  }
0x93: {  	s2 =	sld [smem:$0x3FFC];
	_ =	sdelay $0x3  }
0x94: {  	_ =	strace s2  }
0x95: {  	s2 =	sld [smem:$0x3FFD];
	_ =	sdelay $0x3  }
0x96: {  	_ =	strace s2  }
0x97: {  	_ =	strace $0x8FFFFFFF  }
0x98: {  	s18 =	sld [smem:$0x3FDB];
	_ =	sdelay $0x1  }
0x99: {  	s19 =	simm.s32 $_scs_section_size  }
0x9a: {  	s4 =	simm.s32 $_size__tile_overlayer_lowered;
	s5 =	simm.s32 $_tile_overlayer_lowered  }
0x9b: {  	s22 =	simm.s32 $0x1BFF;
	s21 =	sshll.u32 s5, $0x1;
	s2 =	sadd.s32 s19, s18  }
0x9c: {  	s6 =	simm.s32 $0x0;
	s20 =	sshll.u32 s4, $0x1;
	s4 =	sadd.s32 s21, s2  }
0x9d: {  	[timem:s6], [sflag:s22] =	dma.local [hbm:s4], s20  }
0x9e: {  	_ =	swait.ge [sflag:s22], s20  }
0x9f: {  	s3 =	ssub.s32 $0x0, s20;
	[sflag:s22] =	ssyncset.done $0x0  }
0xa0: {  	[sflag:s22] =	ssyncadd.s32 s3;
	_ =	sdelay $0x1  }
0xa1: {  	s23 =	simm.s32 $0x1B8B  }
0xa2: {  	_ =	swait.ge [sflag:s23], $0x1  }
0xa3: {  	[sflag:s23] =	ssyncset.done $0x0  }
0xa4: {  	s25 =	simm.s32 $0x1B8E;
	s24 =	sld [smem:$0x3FFE];
	[sflag:s23] =	ssyncadd.s32 $0xFFFFFFFF  }
0xa5: {  	s26 =	simm.s32 $execute0_lowered;
	[smem:$0x3FD2] =	sst s25  }
0xa6: {  	s4 =	sshll.u32 s26, $0x1;
	_ =	strace $0x80000049;
	[dreg:$0x1] =	wrdreg $0xFFFFFFFF  }
0xa7: {  	s28 =	simm.s32 $_size_execute0_lowered;
	s2 =	sadd.s32 s2, s4;
	[dreg:$0x0] =	wrdreg $0x0  }
0xa8: {  	s4 =	sshll.u32 s28, $0x1;
	[dreg:$0x2] =	wrdreg s2  }
0xa9: {  	[dreg:$0x3] =	wrdreg s4  }
0xaa: {  	[dreg:$0x4] =	wrdreg $0xC0  }
0xab: {  	_ =	task [dreg:s6], $0x5FFFF  }
0xac: {  	[dreg:$0x1] =	wrdreg $0xFFFFFFFF  }
0xad: {  	[dreg:$0x0] =	wrdreg $0x60  }
0xae: {  	[dreg:$0x2] =	wrdreg s24  }
0xaf: {  	[dreg:$0x3] =	wrdreg $0xCD000  }
0xb0: {  	[dreg:$0x4] =	wrdreg $0x9  }
0xb1: {  	_ =	task.clear_ibuf [dreg:s6], $0x5FFFF;
	_ =	strace $0x90000049  }
0xb2: {  	s29 =	simm.s32 $0x9;
	_ =	strace $0x8000004B  }
0xb3: {  	_ =	swait.ge [sflag:s29], $0x1  }
0xb4: {  	[sflag:s29] =	ssyncadd.s32 $0xFFFFFFFF  }
0xb5: {  	_ =	strace $0x9000004B  }
0xb6: {  	_ =	sfence  }
0xb7: {  	s30 =	sld [smem:$0x0];
	_ =	sdelay $0x2  }
0xb8: {  	s31 =	sshll.u32 s1, $0xD;
	s1 =	sshrl.u32 s1, $0x2  }
0xb9: {  	s3 =	sand.u32 $0x4000, s31;
	s1 =	sadd.s32 s1, s30  }
0xba: {  	s0 =	sor.u32 s3, s0;
	s1 =	sshll.u32 s1, $0x11  }
0xbb: {  	s0 =	sor.u32 s1, s0  }
0xbc: {  	s0 =	sadd.s32 $0x8F2B, s0  }
0xbd: {  	[sflag:s0] =	ssyncadd.remote.s32 $0x1  }
0xbe: {  	_ =	sfence.sel $0xFFFF  }
0xbf: {  	[dreg:$0x0] =	wrdreg $0xFFFFFFFF;
	(pc) =	sbr.abs _section_cstart, $3  }
0xc0: {  	[dreg:$0x1] =	wrdreg $0xFFFFFFFF  }
0xc1: {  	_ =	task.clear_ibuf [dreg:s6], $0x2FFFF;
	_ =	strace $0x9FFFFFFF  }
0xc2: {  	(tm) =	ssettm $0x7FFFFFFF  }
0xc3: {  	_ =	shalt  }
tec
execute0_lowered:
.L_overlay_start_1:
0x0: {  	(tag) =	ssettag $0x1  }
0x1: {  	s0 =	srdreg.scid;
	s5 =	rddreg [dreg:$0x0]  }
0x2: {  	s2 =	rddreg [dreg:$0x1];
	s1 =	stileid.u32  }
0x3: {  	s3 =	simm.s32 $0x0;
	s14 =	simm.s32 $0x5000;
	s15 =	simm.s32 $0x100  }
0x4: {  	s16 =	simm.s32 $0x8E80;
	s17 =	simm.s32 $0x1;
	s18 =	simm.s32 $0x2  }
0x5: {  	s19 =	simm.s32 $0x4C00;
	s20 =	simm.s32 $0x2600;
	s21 =	simm.s32 $0x4D00  }
0x6: {  	s22 =	simm.s32 $0x2700;
	s6 =	sand.u32 $0x1, s0;
	s0 =	rddreg [dreg:$0x2]  }
0x7: {  	s23 =	simm.s32 $0x4E00;
	s26 =	simm.s32 $0x0;
	[smem:$0x7FF] =	sst s3  }
0x8: {  	s9 =	smul.u32 $0xA000, s1;
	s31 =	sshll.u32 s1, $0x6;
	s4 =	sshll.u32 s6, $0x4  }
0x9: {  	_ =	strace $0x8000004A;
	s8 =	smul.u32 $0x14000, s6;
	s6 =	ssub.s32 $0x2, s6  }
0xa: {  	s4 =	sor.u32 s1, s4;
	s30 =	sshrl.u32 s6, $0x1;
	s24 =	sshrl.u32 s9, $0x3  }
0xb: {  	s13 =	sadd.s32 s9, s2;
	s7 =	smul.u32 $0x500, s4;
	s4 =	sadd.s32 $0x16000, s5  }
0xc: {  	s11 =	sadd.s32 s8, s5;
	s12 =	ssub.s32 s6, s30;
	s6 =	sor.u32 $0x1C03, s31  }
0xd: {  	s25 =	sadd.s32 $0x2A000, s11;
	s9 =	smax.u32 s12, $0x1;
	s11 =	simm.s32 $0x3  }
0xe: {  	s12 =	simm.s32 $0x2800;
	s10 =	sadd.s32 s7, s5;
	s5 =	sadd.s32 s4, s24  }
0xf: {  	s24 =	sadd.s32 s24, s25;
	s25 =	simm.s32 $0x4F00;
	s7 =	sadd.s32 $0xC000, s10  }
0x10: {  	s8 =	sadd.s32 $0x2000, s10;
	s10 =	sshrl.u32 s13, $0x3;
	s13 =	simm.s32 $0xFA  }
.LBB2_1:
0x11: {  	[spmem:s10], [sflag:s6] =	dma.local [hbm:s5], $0x1400  }
0x12: {  	_ =	swait.ge [sflag:s11], $0x1400  }
0x13: {  	[sflag:s11] =	ssyncset.done $0x0  }
0x14: {  	[sflag:s11] =	ssyncadd.s32 $0xFFFFEC00  }
0x15: {  	[tilespmem:s3], [sflag:$0x3] =	stream.linear.gather [hbm4b:s7+s3], $0x2800, $0x38;
	[tilespmem:$0x16D00] =	vst v63  }
0x16: {  	_ =	swait.ge [sflag:s11], $0x2800  }
0x17: {  	[sflag:s11] =	ssyncset.done $0x0  }
0x18: {  	[sflag:s11] =	ssyncadd.s32 $0xFFFFD800  }
0x19: {  	[tilespmem:s12], [sflag:$0x3] =	stream.linear.gather [hbm4b:s8+s3], $0x2800, $0x38;
	[tilespmem:$0x16D00] =	vst v63  }
0x1a: {  	_ =	swait.ge [sflag:s11], $0x2800  }
0x1b: {  	[sflag:s11] =	ssyncset.done $0x0  }
0x1c: {  	[sflag:s11] =	ssyncadd.s32 $0xFFFFD800  }
0x1d: {  	[bflag:$0x0] =	sbarrier.arrive $0xFFFF  }
0x1e: {  	[tilespmem:s14], [sflag:$0x1] =	stream.indirect.gather [hbm4b:s4+s13], $0x40, s3, s13, $0xb8;
	[tilespmem:$0x16D00] =	vst v63  }
0x1f: {  	_ = 	snop  }
0x20: {  	[tilespmem:s16], [sflag:$0x2] =	stream.indirect.gather [hbm4b:s4+s13], $0x40, s15, s13, $0xb8;
	[tilespmem:$0x16D00] =	vst v63  }
0x21: {  	_ =	swait.ge [sflag:s17], $0x3E80  }
0x22: {  	[sflag:s17] =	ssyncset.done $0x0  }
0x23: {  	s28 =	simm.s32 $0x2800;
	[sflag:s17] =	ssyncadd.s32 $0xFFFFC180  }
0x24: {  	[spmem:s2] =	stream.indirect.scatter.add.f32 [tilespmem:s14], [sflag:$0x3], $0x40, s28, s13, $0xb8;
	[tilespmem:$0x16D00] =	vst v63  }
0x25: {  	_ =	swait.ge [sflag:s11], $0x3E80  }
0x26: {  	[sflag:s11] =	ssyncset.done $0x0  }
0x27: {  	s28 =	simm.s32 $0x200;
	[sflag:s11] =	ssyncadd.s32 $0xFFFFC180  }
0x28: {  	[tilespmem:s14], [sflag:$0x1] =	stream.indirect.gather [hbm4b:s4+s13], $0x40, s28, s13, $0xb8;
	[tilespmem:$0x16D00] =	vst v63  }
0x29: {  	_ =	swait.ge [sflag:s18], $0x3E80  }
0x2a: {  	[sflag:s18] =	ssyncset.done $0x0  }
0x2b: {  	s28 =	simm.s32 $0x2900;
	[sflag:s18] =	ssyncadd.s32 $0xFFFFC180  }
0x2c: {  	[spmem:s2] =	stream.indirect.scatter.add.f32 [tilespmem:s16], [sflag:$0x3], $0x40, s28, s13, $0xb8;
	[tilespmem:$0x16D00] =	vst v63  }
0x2d: {  	_ =	swait.ge [sflag:s11], $0x3E80  }
0x2e: {  	[sflag:s11] =	ssyncset.done $0x0  }
0x2f: {  	s29 =	simm.s32 $0x300;
	s28 =	simm.s32 $0x800;
	[sflag:s11] =	ssyncadd.s32 $0xFFFFC180  }
.LBB2_2:
0x30: {  	[tilespmem:s16], [sflag:$0x2] =	stream.indirect.gather [hbm4b:s4+s13], $0x40, s29, s13, $0xb8;
	[tilespmem:$0x16D00] =	vst v63  }
0x31: {  	s29 =	smov.u32 s28  }
0x32: {  	p0 =	sne.s32 s28, $0x8800;
	s28 =	sadd.s32 $0x800, s28;
	_ =	swait.ge [sflag:s17], $0x3E80  }
0x33: {  	s29 =	sshra.s32 s29, $0x2;
	[sflag:s17] =	ssyncset.done $0x0  }
0x34: {  	s30 =	sadd.s32 $0x2800, s29;
	[sflag:s17] =	ssyncadd.s32 $0xFFFFC180  }
0x35: {  	[spmem:s2] =	stream.indirect.scatter.add.f32 [tilespmem:s14], [sflag:$0x3], $0x40, s30, s13, $0xb8;
	[tilespmem:$0x16D00] =	vst v63  }
0x36: {  	_ =	swait.ge [sflag:s11], $0x3E80  }
0x37: {  	[sflag:s11] =	ssyncset.done $0x0  }
0x38: {  	s30 =	sadd.s32 $0x200, s29;
	[sflag:s11] =	ssyncadd.s32 $0xFFFFC180  }
0x39: {  	[tilespmem:s14], [sflag:$0x1] =	stream.indirect.gather [hbm4b:s4+s13], $0x40, s30, s13, $0xb8;
	[tilespmem:$0x16D00] =	vst v63  }
0x3a: {  	_ =	swait.ge [sflag:s18], $0x3E80  }
0x3b: {  	[sflag:s18] =	ssyncset.done $0x0  }
.Ltmp0:
0x3c: {  	s30 =	sadd.s32 $0x2900, s29;
	[sflag:s18] =	ssyncadd.s32 $0xFFFFC180;
	(pc) =	sbr.rel @p0 .LBB2_2-.Ltmp0, $4  }
0x3d: {  	[spmem:s2] =	stream.indirect.scatter.add.f32 [tilespmem:s16], [sflag:$0x3], $0x40, s30, s13, $0xb8;
	[tilespmem:$0x16D00] =	vst v63  }
0x3e: {  	_ =	swait.ge [sflag:s11], $0x3E80  }
0x3f: {  	[sflag:s11] =	ssyncset.done $0x0  }
0x40: {  	s29 =	sadd.s32 $0x300, s29;
	[sflag:s11] =	ssyncadd.s32 $0xFFFFC180  }
0x41: {  	[tilespmem:s16], [sflag:$0x2] =	stream.indirect.gather [hbm4b:s4+s13], $0x40, s29, s13, $0xb8;
	[tilespmem:$0x16D00] =	vst v63  }
0x42: {  	_ =	swait.ge [sflag:s17], $0x3E80  }
0x43: {  	[sflag:s17] =	ssyncset.done $0x0  }
0x44: {  	[sflag:s17] =	ssyncadd.s32 $0xFFFFC180  }
0x45: {  	[spmem:s2] =	stream.indirect.scatter.add.f32 [tilespmem:s14], [sflag:$0x3], $0x40, s19, s13, $0xb8;
	[tilespmem:$0x16D00] =	vst v63  }
0x46: {  	_ =	swait.ge [sflag:s11], $0x3E80  }
0x47: {  	[sflag:s11] =	ssyncset.done $0x0  }
0x48: {  	[sflag:s11] =	ssyncadd.s32 $0xFFFFC180  }
0x49: {  	[tilespmem:s14], [sflag:$0x1] =	stream.indirect.gather [hbm4b:s4+s13], $0x40, s20, s13, $0xb8;
	[tilespmem:$0x16D00] =	vst v63  }
0x4a: {  	_ =	swait.ge [sflag:s18], $0x3E80  }
0x4b: {  	[sflag:s18] =	ssyncset.done $0x0  }
0x4c: {  	[sflag:s18] =	ssyncadd.s32 $0xFFFFC180  }
0x4d: {  	[spmem:s2] =	stream.indirect.scatter.add.f32 [tilespmem:s16], [sflag:$0x3], $0x40, s21, s13, $0xb8;
	[tilespmem:$0x16D00] =	vst v63  }
0x4e: {  	_ =	swait.ge [sflag:s11], $0x3E80  }
0x4f: {  	[sflag:s11] =	ssyncset.done $0x0  }
0x50: {  	[sflag:s11] =	ssyncadd.s32 $0xFFFFC180  }
0x51: {  	[tilespmem:s16], [sflag:$0x2] =	stream.indirect.gather [hbm4b:s4+s13], $0x40, s22, s13, $0xb8;
	[tilespmem:$0x16D00] =	vst v63  }
0x52: {  	_ =	swait.ge [sflag:s17], $0x3E80  }
0x53: {  	[sflag:s17] =	ssyncset.done $0x0  }
0x54: {  	[sflag:s17] =	ssyncadd.s32 $0xFFFFC180  }
0x55: {  	[spmem:s2] =	stream.indirect.scatter.add.f32 [tilespmem:s14], [sflag:$0x3], $0x40, s23, s13, $0xb8;
	[tilespmem:$0x16D00] =	vst v63  }
0x56: {  	_ =	swait.ge [sflag:s11], $0x3E80  }
0x57: {  	[sflag:s11] =	ssyncset.done $0x0  }
0x58: {  	[sflag:s11] =	ssyncadd.s32 $0xFFFFC180  }
0x59: {  	[tilespmem:s14], [sflag:$0x1] =	stream.indirect.gather [hbm4b:s4+s13], $0x40, s22, s13, $0xb8;
	[tilespmem:$0x16D00] =	vst v63  }
0x5a: {  	_ =	swait.ge [sflag:s18], $0x3E80  }
0x5b: {  	[sflag:s18] =	ssyncset.done $0x0  }
0x5c: {  	[sflag:s18] =	ssyncadd.s32 $0xFFFFC180  }
0x5d: {  	[spmem:s2] =	stream.indirect.scatter.add.f32 [tilespmem:s16], [sflag:$0x3], $0x40, s25, s13, $0xb8;
	[tilespmem:$0x16D00] =	vst v63  }
0x5e: {  	_ =	swait.ge [sflag:s11], $0x3E80  }
0x5f: {  	[sflag:s11] =	ssyncset.done $0x0  }
0x60: {  	[sflag:s11] =	ssyncadd.s32 $0xFFFFC180  }
0x61: {  	[tilespmem:s16], [sflag:$0x2] =	stream.indirect.gather [hbm4b:s4+s13], $0x40, s22, s13, $0xb8;
	[tilespmem:$0x16D00] =	vst v63  }
0x62: {  	_ =	swait.ge [sflag:s17], $0x3E80  }
0x63: {  	[sflag:s17] =	ssyncset.done $0x0  }
0x64: {  	[sflag:s17] =	ssyncadd.s32 $0xFFFFC180  }
0x65: {  	_ =	swait.ge [sflag:s18], $0x3E80  }
0x66: {  	s26 =	sadd.s32 $0x1, s26;
	[sflag:s18] =	ssyncset.done $0x0  }
0x67: {  	p0 =	sne.s32 s26, s9;
	[sflag:s18] =	ssyncadd.s32 $0xFFFFC180  }
.Ltmp1:
0x68: {  	[bflag:$0x0] =	sbarrier.arrive $0xFFFF;
	(pc) =	sbr.rel @p0 .LBB2_1-.Ltmp1, $4  }
0x69: {  	[hbm:s24], [sflag:s6] =	dma.local [spmem:s10], $0x1400  }
0x6a: {  	_ =	swait.ge [sflag:s11], $0x1400  }
0x6b: {  	[sflag:s11] =	ssyncset.done $0x0  }
0x6c: {  	[sflag:s11] =	ssyncadd.s32 $0xFFFFEC00  }
0x6d: {  	_ =	sfence.sel $0x180000  }
0x6e: {  	[bflag:$0x0] =	sbarrier.arrive $0xFFFF  }
0x6f: {  	p0 =	sne.s32 s1, $0x0;
	_ =	strace $0x9000004A  }
0x70: {  	s0 =	sadd.s32 @!p0 $0x100000, s0;
	[bflag:$0x2] =	sbarrier.arrive $0xFFFF  }
0x71: {  	[sflag:s0] =	ssyncadd.tile.s32 @!p0 $0x1;
	_ =	shalt  }
.Lfunc_end2:
_tile_overlayer_lowered:
.L_overlay_start_2:
0x72: {  	(tag) =	ssettag $0x2  }
0x73: {  	s0 =	rddreg [dreg:$0x0];
	s2 =	stileid.u32  }
0x74: {  	s1 =	rddreg [dreg:$0x1];
	p0 =	sne.s32 s2, $0x0  }
0x75: {  	s3 =	rddreg [dreg:$0x2];
	[bflag:$0x3] =	sbarrier.arrive $0xFFFF;
	s2 =	simm.s32 @!p0 $0x1C03  }
0x76: {  	[timem:s3], [sflag:s2] =	dma.local @!p0 [hbm:s0], s1  }
0x77: {  	s0 =	simm.s32 @!p0 $0x3  }
0x78: {  	_ =	swait.ge @!p0 [sflag:s0], s1  }
0x79: {  	s1 =	ssub.s32 @!p0 $0x0, s1;
	[sflag:s0] =	ssyncset.done @!p0 $0x0  }
0x7a: {  	[sflag:s0] =	ssyncadd.s32 @!p0 s1  }
0x7b: {  	[bflag:$0x3] =	sbarrier.arrive $0xFFFF  }
0x7c: {  	_ =	shalt  }

// kernel: kernel.14.cloned.1.call-start
scs
__scs_entry_jumppad:
0x0: {  	(pc) =	sbr.rel $0x88, $3  }
0x1: {  	(tag) =	ssettag $0x0;
	lr =	simm.s32 $0x1  }
0x2: {  	[smem:$0x3F9B] =	sst lr;
	_ =	strace $0xD0000000  }
0x3: {  	_ = 	snop  }
0x4: {  	_ = 	snop  }
0x5: {  	_ = 	snop  }
0x6: {  	_ = 	snop  }
0x7: {  	_ = 	snop  }
__scs_overlays_trampoline_lowered:
0x8: {  	[smem:$0x3FAA] =	sst s0  }
0x9: {  	[smem:$0x3FAB] =	sst s1  }
0xa: {  	[smem:$0x3FAC] =	sst s2  }
0xb: {  	[smem:$0x3FAD] =	sst s3  }
0xc: {  	[smem:$0x3FAE] =	sst s4  }
0xd: {  	[smem:$0x3FAF] =	sst s5  }
0xe: {  	[smem:$0x3FB0] =	sst s6  }
0xf: {  	[smem:$0x3FB1] =	sst s7  }
0x10: {  	[smem:$0x3FB2] =	sst s8  }
0x11: {  	[smem:$0x3FB3] =	sst s9;
	s0 =	simm.s32 @!p0 $0x0  }
0x12: {  	s1 =	sld [smem:$0x3F99];
	s0 =	simm.s32 @p0 $0x1  }
0x13: {  	[smem:$0x3FB4] =	sst s0;
	s0 =	simm.s32 @!p1 $0x0  }
0x14: {  	s2 =	sld [smem:$0x3F98];
	s0 =	simm.s32 @p1 $0x1  }
0x15: {  	[smem:$0x3FB5] =	sst s0;
	s0 =	simm.s32 @!p2 $0x0  }
0x16: {  	s3 =	sld [smem:$0x3FDB];
	s0 =	simm.s32 @p2 $0x1  }
0x17: {  	s4 =	simm.s32 $0x1BF5;
	[smem:$0x3FB7] =	sst s0  }
0x18: {  	s0 =	sld [smem:$0x3F9A];
	_ =	swait.ge [sflag:s4], $0x0  }
0x19: {  	s7 =	sld [smem:$0x3F9B]  }
0x1a: {  	s8 =	sadd.s32 $0xFFFFE003, lr  }
0x1b: {  	s9 =	sadd.s32 $0xFFFFFEF7, lr;
	s5 =	simm.s32 $0xFFFFFFFF;
	p2 =	slt.u32 s8, $0xFFFFF086  }
0x1c: {  	p1 =	slt.u32 s9, $0xF7A;
	s5 =	simm.s32 @!p2 $0x0  }
0x1d: {  	s5 =	simm.s32 @p1 $0x1;
	p0 =	seq.s32 s7, s2  }
0x1e: {  	s7 =	smul.u32 @!p0 $0xF7A, s2;
	p2 =	seq.s32 @!p0 s5, $0x0  }
0x1f: {  	s9 =	smul.u32 $0xF7A, s1;
	s8 =	simm.s32 @!p0 $0x1BF5;
	p2 =	por !p2, p0  }
0x20: {  	[sflag:s8] =	ssyncset.s32 @!p0 $0xFFFFF086;
	s6 =	sadd.s32 @!p0 s3, s7;
	s7 =	simm.s32 @!p0 $0x108  }
0x21: {  	s3 =	sadd.s32 s3, s9;
	s6 =	sadd.s32 @!p0 $0x88, s6;
	s7 =	simm.s32 @p2 $0x1082  }
0x22: {  	[simem:s7], [sflag:s8] =	dma.local @!p0 [hbm:s6], $0xF7A  }
0x23: {  	s9 =	sor.u32 $0xD0000000, s2;
	s6 =	simm.s32 $0x108;
	_ =	swait.ge @!p0 [sflag:s8], $0x0  }
0x24: {  	s3 =	sadd.s32 $0x88, s3;
	s6 =	simm.s32 @!p1 $0x1082;
	[sflag:s4] =	ssyncset.s32 $0xFFFFF086  }
0x25: {  	[simem:s6], [sflag:s4] =	dma.local [hbm:s3], $0xF7A  }
0x26: {  	[smem:$0x3F9B] =	sst s1;
	(tag) =	ssettag s2;
	_ =	strace s9  }
0x27: {  	s1 =	sld [smem:$0x3FAB]  }
0x28: {  	s2 =	sld [smem:$0x3FAC]  }
0x29: {  	s4 =	sld [smem:$0x3FAE]  }
0x2a: {  	p0 =	seq.s32 s5, $0x0;
	s5 =	sld [smem:$0x3FAF]  }
0x2b: {  	s6 =	sld [smem:$0x3FB0]  }
0x2c: {  	s7 =	sld [smem:$0x3FB1]  }
0x2d: {  	s3 =	simm.s32 $0x108;
	s8 =	sld [smem:$0x3FB2]  }
0x2e: {  	s3 =	simm.s32 @!p0 $0x1082;
	s9 =	sld [smem:$0x3FB3]  }
0x2f: {  	lr =	sadd.s32 s0, s3;
	s0 =	sld [smem:$0x3FAA]  }
0x30: {  	s3 =	sld [smem:$0x3FAD]  }
0x31: {  	[smem:$0x3FB6] =	sst s10  }
0x32: {  	s10 =	sld [smem:$0x3FB4];
	_ =	sdelay $0x3  }
0x33: {  	p0 =	seq.s32 s10, $0x1;
	s10 =	sld [smem:$0x3FB6];
	_ =	sdelay $0x3  }
0x34: {  	[smem:$0x3FB6] =	sst s10  }
0x35: {  	s10 =	sld [smem:$0x3FB5];
	_ =	sdelay $0x3  }
0x36: {  	p1 =	seq.s32 s10, $0x1;
	s10 =	sld [smem:$0x3FB6];
	_ =	sdelay $0x3  }
0x37: {  	[smem:$0x3FB6] =	sst s10  }
0x38: {  	s10 =	sld [smem:$0x3FB7]  }
0x39: {  	_ = 	snop;
	(pc) =	sbr.ind lr, $3  }
0x3a: {  	_ = 	snop  }
0x3b: {  	_ = 	snop  }
0x3c: {  	p2 =	seq.s32 s10, $0x1;
	s10 =	sld [smem:$0x3FB6]  }
0x3d: {  	_ =	shalt  }
0x3e: {  	_ =	shalt  }
0x3f: {  	_ =	shalt  }
0x40: {  	_ =	shalt  }
0x41: {  	_ =	shalt  }
0x42: {  	_ =	shalt  }
0x43: {  	_ =	shalt  }
0x44: {  	_ =	shalt  }
0x45: {  	_ =	shalt  }
0x46: {  	_ =	shalt  }
0x47: {  	_ =	shalt  }
0x48: {  	_ =	shalt  }
0x49: {  	_ =	shalt  }
0x4a: {  	_ =	shalt  }
0x4b: {  	_ =	shalt  }
0x4c: {  	_ =	shalt  }
0x4d: {  	_ =	shalt  }
0x4e: {  	_ =	shalt  }
0x4f: {  	_ =	shalt  }
0x50: {  	_ =	shalt  }
0x51: {  	_ =	shalt  }
0x52: {  	_ =	shalt  }
0x53: {  	_ =	shalt  }
0x54: {  	_ =	shalt  }
0x55: {  	_ =	shalt  }
0x56: {  	_ =	shalt  }
0x57: {  	_ =	shalt  }
0x58: {  	_ =	shalt  }
0x59: {  	_ =	shalt  }
0x5a: {  	_ =	shalt  }
0x5b: {  	_ =	shalt  }
0x5c: {  	_ =	shalt  }
0x5d: {  	_ =	shalt  }
0x5e: {  	_ =	shalt  }
0x5f: {  	_ =	shalt  }
0x60: {  	_ =	shalt  }
0x61: {  	_ =	shalt  }
0x62: {  	_ =	shalt  }
0x63: {  	_ =	shalt  }
0x64: {  	_ =	shalt  }
0x65: {  	_ =	shalt  }
0x66: {  	_ =	shalt  }
0x67: {  	_ =	shalt  }
0x68: {  	_ =	shalt  }
0x69: {  	_ =	shalt  }
0x6a: {  	_ =	shalt  }
0x6b: {  	_ =	shalt  }
0x6c: {  	_ =	shalt  }
0x6d: {  	_ =	shalt  }
0x6e: {  	_ =	shalt  }
0x6f: {  	_ =	shalt  }
0x70: {  	_ =	shalt  }
0x71: {  	_ =	shalt  }
0x72: {  	_ =	shalt  }
0x73: {  	_ =	shalt  }
0x74: {  	_ =	shalt  }
0x75: {  	_ =	shalt  }
0x76: {  	_ =	shalt  }
0x77: {  	_ =	shalt  }
0x78: {  	_ =	shalt  }
0x79: {  	_ =	shalt  }
0x7a: {  	_ =	shalt  }
0x7b: {  	_ =	shalt  }
0x7c: {  	_ =	shalt  }
0x7d: {  	_ =	shalt  }
0x7e: {  	_ =	shalt  }
0x7f: {  	_ =	shalt  }
0x80: {  	_ =	shalt  }
0x81: {  	_ =	shalt  }
0x82: {  	_ =	shalt  }
0x83: {  	_ =	shalt  }
0x84: {  	_ =	shalt  }
0x85: {  	_ =	shalt  }
0x86: {  	_ =	shalt  }
0x87: {  	_ =	shalt  }
.Lfunc_end0:
.L_simem_size_0:
called_computation.2_lowered:
.L_overlay_start_0:
0x88: {  	s2 =	sld [smem:$0x3FD9]  }
0x89: {  	s3 =	sld [smem:$0x3FFE];
	_ =	sdelay $0x1  }
0x8a: {  	s1 =	srdreg.scid  }
0x8b: {  	s0 =	sand.u32 $0x1, s1  }
0x8c: {  	s17 =	sshll.u32 s0, $0xA;
	s2 =	sadd.s32 s3, s2  }
0x8d: {  	s2 =	sadd.s32 s2, s17  }
0x8e: {  	[smem:$0x3FC2] =	sst s2  }
0x8f: {  	_ = 	snop  }
0x90: {  	s2 =	sld [smem:$0x3FD0];
	(tm) =	ssettm $0x1  }
0x91: {  	s18 =	sld [smem:$0x3FFB];
	_ =	sdelay $0x3  }
0x92: {  	_ =	strace s18  }
0x93: {  	s3 =	sld [smem:$0x3FFC];
	_ =	sdelay $0x3  }
0x94: {  	_ =	strace s3  }
0x95: {  	s3 =	sld [smem:$0x3FFD];
	_ =	sdelay $0x3  }
0x96: {  	_ =	strace s3  }
0x97: {  	_ =	strace $0x8FFFFFFF  }
0x98: {  	s19 =	sld [smem:$0x3FDB];
	_ =	sdelay $0x1  }
0x99: {  	s4 =	simm.s32 $_scs_section_size  }
0x9a: {  	s5 =	simm.s32 $_size__tile_overlayer_lowered;
	s6 =	simm.s32 $_tile_overlayer_lowered  }
0x9b: {  	s22 =	simm.s32 $0x1BFF;
	s21 =	sshll.u32 s6, $0x1;
	s3 =	sadd.s32 s4, s19  }
0x9c: {  	s7 =	simm.s32 $0x0;
	s20 =	sshll.u32 s5, $0x1;
	s5 =	sadd.s32 s21, s3  }
0x9d: {  	[timem:s7], [sflag:s22] =	dma.local [hbm:s5], s20  }
0x9e: {  	_ =	swait.ge [sflag:s22], s20  }
0x9f: {  	s4 =	ssub.s32 $0x0, s20;
	[sflag:s22] =	ssyncset.done $0x0  }
0xa0: {  	[sflag:s22] =	ssyncadd.s32 s4;
	_ =	sdelay $0x1  }
0xa1: {  	s23 =	simm.s32 $0x1B8B  }
0xa2: {  	_ =	swait.ge [sflag:s23], $0x1  }
0xa3: {  	[sflag:s23] =	ssyncset.done $0x0  }
0xa4: {  	s25 =	simm.s32 $0x1B8E;
	s24 =	sld [smem:$0x3FFE];
	[sflag:s23] =	ssyncadd.s32 $0xFFFFFFFF  }
0xa5: {  	s26 =	simm.s32 $execute0_lowered;
	[smem:$0x3FD2] =	sst s25  }
0xa6: {  	s5 =	sshll.u32 s26, $0x1;
	_ =	strace $0x8000004C;
	[dreg:$0x1] =	wrdreg $0xFFFFFFFF  }
0xa7: {  	s28 =	simm.s32 $_size_execute0_lowered;
	s3 =	sadd.s32 s3, s5;
	[dreg:$0x0] =	wrdreg $0x0  }
0xa8: {  	s5 =	sshll.u32 s28, $0x1;
	[dreg:$0x2] =	wrdreg s3  }
0xa9: {  	[dreg:$0x3] =	wrdreg s5  }
0xaa: {  	[dreg:$0x4] =	wrdreg $0xC0  }
0xab: {  	_ =	task [dreg:s7], $0x5FFFF  }
0xac: {  	[dreg:$0x1] =	wrdreg $0xFFFFFFFF  }
0xad: {  	[dreg:$0x0] =	wrdreg $0x60  }
0xae: {  	[dreg:$0x2] =	wrdreg s24  }
0xaf: {  	[dreg:$0x3] =	wrdreg s2  }
0xb0: {  	[dreg:$0x4] =	wrdreg $0xCBC00  }
0xb1: {  	[dreg:$0x5] =	wrdreg $0x9  }
0xb2: {  	_ =	task.clear_ibuf [dreg:s7], $0x6FFFF;
	_ =	strace $0x9000004C  }
0xb3: {  	s29 =	simm.s32 $0x9;
	_ =	strace $0x8000004E  }
0xb4: {  	_ =	swait.ge [sflag:s29], $0x1  }
0xb5: {  	[sflag:s29] =	ssyncadd.s32 $0xFFFFFFFF  }
0xb6: {  	_ =	strace $0x9000004E  }
0xb7: {  	_ =	sfence  }
0xb8: {  	s30 =	sld [smem:$0x0];
	_ =	sdelay $0x2  }
0xb9: {  	s31 =	sshll.u32 s1, $0xD;
	s1 =	sshrl.u32 s1, $0x2  }
0xba: {  	s3 =	sand.u32 $0x4000, s31;
	s1 =	sadd.s32 s1, s30  }
0xbb: {  	s0 =	sor.u32 s3, s0;
	s1 =	sshll.u32 s1, $0x11  }
0xbc: {  	s0 =	sor.u32 s1, s0  }
0xbd: {  	s0 =	sadd.s32 $0x8F2B, s0  }
0xbe: {  	[sflag:s0] =	ssyncadd.remote.s32 $0x1  }
0xbf: {  	_ =	sfence.sel $0xFFFF  }
0xc0: {  	[dreg:$0x0] =	wrdreg $0xFFFFFFFF;
	(pc) =	sbr.abs _section_cstart, $3  }
0xc1: {  	[dreg:$0x1] =	wrdreg $0xFFFFFFFF  }
0xc2: {  	_ =	task.clear_ibuf [dreg:s7], $0x2FFFF;
	_ =	strace $0x9FFFFFFF  }
0xc3: {  	(tm) =	ssettm $0x7FFFFFFF  }
tec
execute0_lowered:
.L_overlay_start_1:
0x0: {  	(tag) =	ssettag $0x1  }
0x1: {  	s4 =	rddreg [dreg:$0x0]  }
0x2: {  	s5 =	rddreg [dreg:$0x1]  }
0x3: {  	s2 =	rddreg [dreg:$0x2];
	s30 =	simm.s32 $0x0  }
0x4: {  	s0 =	srdreg.scid;
	s20 =	simm.s32 $0x1F8;
	[smem:$0x7FF] =	sst s30  }
0x5: {  	s21 =	simm.s32 $0x3F0;
	_ =	strace $0x8000004D;
	[dreg:$0x7] =	wrdreg s20  }
0x6: {  	s10 =	stileid.u32;
	s22 =	simm.s32 $0x2958;
	[dreg:$0x8] =	wrdreg s21  }
0x7: {  	s23 =	simm.s32 $0x5E8;
	s24 =	simm.s32 $0x2B50;
	[dreg:$0x9] =	wrdreg s22  }
0x8: {  	s26 =	simm.s32 $0x7E0;
	s11 =	simm.s32 $0x2F40;
	[dreg:$0xa] =	wrdreg s23  }
0x9: {  	s13 =	simm.s32 $0xBD0;
	s14 =	simm.s32 $0x3138;
	[dreg:$0xb] =	wrdreg s24  }
0xa: {  	s16 =	simm.s32 $0xDC8;
	s18 =	simm.s32 $0x3330;
	[dreg:$0xc] =	wrdreg s26  }
0xb: {  	s19 =	simm.s32 $0xFC0;
	s31 =	simm.s32 $0x2760;
	[dreg:$0xf] =	wrdreg s11  }
0xc: {  	s29 =	simm.s32 $0x3D08;
	s28 =	simm.s32 $0x1998;
	[dreg:$0x10] =	wrdreg s13  }
0xd: {  	p0 =	por $0x0, $0x0;
	s0 =	sand.u32 $0x1, s0;
	[dreg:$0x11] =	wrdreg s14  }
0xe: {  	s6 =	smul.u32 $0x5000, s10;
	s3 =	sadd.s32 $0x1600, s4;
	[dreg:$0x12] =	wrdreg s16  }
0xf: {  	s17 =	sshll.u32 s10, $0x6;
	s1 =	sshll.u32 s0, $0x4;
	[dreg:$0x13] =	wrdreg s18  }
0x10: {  	s25 =	smul.u32 $0xA000, s0;
	s0 =	ssub.s32 $0x2, s0;
	[dreg:$0x14] =	wrdreg s19  }
0x11: {  	s20 =	simm.s32 $0x3528;
	s21 =	simm.s32 $0x11B8;
	s22 =	simm.s32 $0x3720  }
0x12: {  	s23 =	simm.s32 $0x13B0;
	s24 =	simm.s32 $0x3918;
	[dreg:$0x15] =	wrdreg s20  }
0x13: {  	s11 =	simm.s32 $0x4EC0;
	s26 =	simm.s32 $0x3B10;
	[dreg:$0x16] =	wrdreg s21  }
0x14: {  	s13 =	simm.s32 $0x17A0;
	s18 =	simm.s32 $0x2178;
	[dreg:$0x17] =	wrdreg s22  }
0x15: {  	s19 =	simm.s32 $0x46E0;
	s16 =	simm.s32 $0x48D8;
	[dreg:$0x18] =	wrdreg s23  }
0x16: {  	s14 =	simm.s32 $0x4CC8;
	s1 =	sor.u32 s10, s1;
	[dreg:$0x19] =	wrdreg s24  }
0x17: {  	s12 =	sshrl.u32 s0, $0x1;
	s15 =	sadd.s32 s6, s2;
	[dreg:$0x1b] =	wrdreg s26  }
0x18: {  	s10 =	simm.s32 $0x1;
	[dreg:$0x1c] =	wrdreg s13;
	s26 =	simm.s32 $0x3F00  }
0x19: {  	s24 =	simm.s32 $0x40F8;
	s23 =	simm.s32 $0x1D88;
	s22 =	simm.s32 $0x42F0  }
0x1a: {  	s21 =	simm.s32 $0x1F80;
	s20 =	simm.s32 $0x44E8;
	s13 =	simm.s32 $0x2568  }
0x1b: {  	s7 =	smul.u32 $0x4EC, s1;
	s1 =	sshrl.u32 s6, $0x3;
	s0 =	ssub.s32 s0, s12  }
0x1c: {  	s6 =	simm.s32 $0x3;
	s9 =	sadd.s32 s3, s1;
	s0 =	smax.u32 s0, $0x1  }
0x1d: {  	s8 =	sadd.s32 s7, s4;
	[dreg:$0x4] =	wrdreg s9;
	s5 =	sadd.s32 s5, s7  }
0x1e: {  	s7 =	sadd.s32 s25, s4;
	s9 =	simm.s32 $0x9D8;
	s4 =	sor.u32 $0x1C03, s17  }
0x1f: {  	s25 =	simm.s32 $0x15A8;
	p1 =	sne.s32 s0, $0x1;
	[dreg:$0x6] =	wrdreg s5  }
0x20: {  	s17 =	simm.s32 $0x2370;
	s8 =	sadd.s32 $0x52000, s8;
	[dreg:$0xe] =	wrdreg s9  }
.Ltmp0:
0x21: {  	s12 =	sadd.s32 $0xB600, s7;
	s5 =	sshrl.u32 s15, $0x3;
	(pc) =	sbr.rel @!p1 .LBB2_3-.Ltmp0, $4  }
0x22: {  	s7 =	simm.s32 $0x1F4;
	[dreg:$0x1a] =	wrdreg s25;
	s9 =	simm.s32 $0x8D40  }
0x23: {  	s25 =	simm.s32 $0x1B90;
	[dreg:$0x5] =	wrdreg s8;
	s8 =	simm.s32 $0x2D48  }
0x24: {  	s12 =	sadd.s32 s1, s12;
	s1 =	sadd.s32 $0xFFFFFFFF, s0;
	s0 =	rddreg [dreg:$0x4]  }
0x25: {  	s15 =	simm.s32 $0x4AD0;
	[dreg:$0xd] =	wrdreg s8;
	s8 =	simm.s32 $0x2  }
0x26: {  	[spmem:s5], [sflag:s4] =	dma.local [hbm:s0], $0xA00  }
0x27: {  	_ =	swait.ge [sflag:s6], $0xA00  }
0x28: {  	[sflag:s6] =	ssyncset.done $0x0  }
0x29: {  	s0 =	rddreg [dreg:$0x5];
	[sflag:s6] =	ssyncadd.s32 $0xFFFFF600  }
0x2a: {  	[tilespmem:s30], [sflag:$0x3] =	stream.linear.gather [hbm4b:s0+s30], $0x2760, $0x38;
	[tilespmem:$0x11BC0] =	vst v63  }
0x2b: {  	_ =	swait.ge [sflag:s6], $0x2760  }
0x2c: {  	[sflag:s6] =	ssyncset.done $0x0  }
0x2d: {  	s0 =	rddreg [dreg:$0x6];
	[sflag:s6] =	ssyncadd.s32 $0xFFFFD8A0  }
0x2e: {  	[tilespmem:s31], [sflag:$0x3] =	stream.linear.gather [hbm4b:s0+s30], $0x2760, $0x38;
	[tilespmem:$0x11BC0] =	vst v63  }
0x2f: {  	_ =	swait.ge [sflag:s6], $0x2760  }
0x30: {  	[sflag:s6] =	ssyncset.done $0x0  }
0x31: {  	[sflag:s6] =	ssyncadd.s32 $0xFFFFD8A0  }
0x32: {  	[bflag:$0x0] =	sbarrier.arrive $0xFFFF  }
0x33: {  	[tilespmem:s11], [sflag:$0x1] =	stream.indirect.gather [hbm4b:s3+s7], $0x20, s30, s7, $0xb8;
	[tilespmem:$0x11BC0] =	vst v63  }
0x34: {  	s0 =	rddreg [dreg:$0x7]  }
0x35: {  	[tilespmem:s9], [sflag:$0x2] =	stream.indirect.gather [hbm4b:s3+s7], $0x20, s0, s7, $0xb8;
	[tilespmem:$0x11BC0] =	vst v63  }
0x36: {  	_ =	swait.ge [sflag:s10], $0x3E80  }
0x37: {  	[sflag:s10] =	ssyncset.done $0x0  }
0x38: {  	[sflag:s10] =	ssyncadd.s32 $0xFFFFC180  }
0x39: {  	[spmem:s2] =	stream.indirect.scatter.add.f32 [tilespmem:s11], [sflag:$0x3], $0x20, s31, s7, $0xb8;
	[tilespmem:$0x11BC0] =	vst v63  }
0x3a: {  	_ =	swait.ge [sflag:s6], $0x3E80  }
0x3b: {  	[sflag:s6] =	ssyncset.done $0x0  }
0x3c: {  	s0 =	rddreg [dreg:$0x8];
	[sflag:s6] =	ssyncadd.s32 $0xFFFFC180  }
0x3d: {  	[tilespmem:s11], [sflag:$0x1] =	stream.indirect.gather [hbm4b:s3+s7], $0x20, s0, s7, $0xb8;
	[tilespmem:$0x11BC0] =	vst v63  }
0x3e: {  	_ =	swait.ge [sflag:s8], $0x3E80  }
0x3f: {  	[sflag:s8] =	ssyncset.done $0x0  }
0x40: {  	s0 =	rddreg [dreg:$0x9];
	[sflag:s8] =	ssyncadd.s32 $0xFFFFC180  }
0x41: {  	[spmem:s2] =	stream.indirect.scatter.add.f32 [tilespmem:s9], [sflag:$0x3], $0x20, s0, s7, $0xb8;
	[tilespmem:$0x11BC0] =	vst v63  }
0x42: {  	_ =	swait.ge [sflag:s6], $0x3E80  }
0x43: {  	[sflag:s6] =	ssyncset.done $0x0  }
0x44: {  	s0 =	rddreg [dreg:$0xa];
	[sflag:s6] =	ssyncadd.s32 $0xFFFFC180  }
0x45: {  	[tilespmem:s9], [sflag:$0x2] =	stream.indirect.gather [hbm4b:s3+s7], $0x20, s0, s7, $0xb8;
	[tilespmem:$0x11BC0] =	vst v63  }
0x46: {  	_ =	swait.ge [sflag:s10], $0x3E80  }
0x47: {  	[sflag:s10] =	ssyncset.done $0x0  }
0x48: {  	s0 =	rddreg [dreg:$0xb];
	[sflag:s10] =	ssyncadd.s32 $0xFFFFC180  }
0x49: {  	[spmem:s2] =	stream.indirect.scatter.add.f32 [tilespmem:s11], [sflag:$0x3], $0x20, s0, s7, $0xb8;
	[tilespmem:$0x11BC0] =	vst v63  }
0x4a: {  	_ =	swait.ge [sflag:s6], $0x3E80  }
0x4b: {  	[sflag:s6] =	ssyncset.done $0x0  }
0x4c: {  	s0 =	rddreg [dreg:$0xc];
	[sflag:s6] =	ssyncadd.s32 $0xFFFFC180  }
0x4d: {  	[tilespmem:s11], [sflag:$0x1] =	stream.indirect.gather [hbm4b:s3+s7], $0x20, s0, s7, $0xb8;
	[tilespmem:$0x11BC0] =	vst v63  }
0x4e: {  	_ =	swait.ge [sflag:s8], $0x3E80  }
0x4f: {  	[sflag:s8] =	ssyncset.done $0x0  }
0x50: {  	s0 =	rddreg [dreg:$0xd];
	[sflag:s8] =	ssyncadd.s32 $0xFFFFC180  }
0x51: {  	[spmem:s2] =	stream.indirect.scatter.add.f32 [tilespmem:s9], [sflag:$0x3], $0x20, s0, s7, $0xb8;
	[tilespmem:$0x11BC0] =	vst v63  }
0x52: {  	_ =	swait.ge [sflag:s6], $0x3E80  }
0x53: {  	[sflag:s6] =	ssyncset.done $0x0  }
0x54: {  	s0 =	rddreg [dreg:$0xe];
	[sflag:s6] =	ssyncadd.s32 $0xFFFFC180  }
0x55: {  	[tilespmem:s9], [sflag:$0x2] =	stream.indirect.gather [hbm4b:s3+s7], $0x20, s0, s7, $0xb8;
	[tilespmem:$0x11BC0] =	vst v63  }
0x56: {  	_ =	swait.ge [sflag:s10], $0x3E80  }
0x57: {  	[sflag:s10] =	ssyncset.done $0x0  }
0x58: {  	s0 =	rddreg [dreg:$0xf];
	[sflag:s10] =	ssyncadd.s32 $0xFFFFC180  }
0x59: {  	[spmem:s2] =	stream.indirect.scatter.add.f32 [tilespmem:s11], [sflag:$0x3], $0x20, s0, s7, $0xb8;
	[tilespmem:$0x11BC0] =	vst v63  }
0x5a: {  	_ =	swait.ge [sflag:s6], $0x3E80  }
0x5b: {  	[sflag:s6] =	ssyncset.done $0x0  }
0x5c: {  	s0 =	rddreg [dreg:$0x10];
	[sflag:s6] =	ssyncadd.s32 $0xFFFFC180  }
0x5d: {  	[tilespmem:s11], [sflag:$0x1] =	stream.indirect.gather [hbm4b:s3+s7], $0x20, s0, s7, $0xb8;
	[tilespmem:$0x11BC0] =	vst v63  }
0x5e: {  	_ =	swait.ge [sflag:s8], $0x3E80  }
0x5f: {  	[sflag:s8] =	ssyncset.done $0x0  }
0x60: {  	s0 =	rddreg [dreg:$0x11];
	[sflag:s8] =	ssyncadd.s32 $0xFFFFC180  }
0x61: {  	[spmem:s2] =	stream.indirect.scatter.add.f32 [tilespmem:s9], [sflag:$0x3], $0x20, s0, s7, $0xb8;
	[tilespmem:$0x11BC0] =	vst v63  }
0x62: {  	_ =	swait.ge [sflag:s6], $0x3E80  }
0x63: {  	[sflag:s6] =	ssyncset.done $0x0  }
0x64: {  	s0 =	rddreg [dreg:$0x12];
	[sflag:s6] =	ssyncadd.s32 $0xFFFFC180  }
0x65: {  	[tilespmem:s9], [sflag:$0x2] =	stream.indirect.gather [hbm4b:s3+s7], $0x20, s0, s7, $0xb8;
	[tilespmem:$0x11BC0] =	vst v63  }
0x66: {  	_ =	swait.ge [sflag:s10], $0x3E80  }
0x67: {  	[sflag:s10] =	ssyncset.done $0x0  }
0x68: {  	s0 =	rddreg [dreg:$0x13];
	[sflag:s10] =	ssyncadd.s32 $0xFFFFC180  }
0x69: {  	[spmem:s2] =	stream.indirect.scatter.add.f32 [tilespmem:s11], [sflag:$0x3], $0x20, s0, s7, $0xb8;
	[tilespmem:$0x11BC0] =	vst v63  }
0x6a: {  	_ =	swait.ge [sflag:s6], $0x3E80  }
0x6b: {  	[sflag:s6] =	ssyncset.done $0x0  }
0x6c: {  	s0 =	rddreg [dreg:$0x14];
	[sflag:s6] =	ssyncadd.s32 $0xFFFFC180  }
0x6d: {  	[tilespmem:s11], [sflag:$0x1] =	stream.indirect.gather [hbm4b:s3+s7], $0x20, s0, s7, $0xb8;
	[tilespmem:$0x11BC0] =	vst v63  }
0x6e: {  	_ =	swait.ge [sflag:s8], $0x3E80  }
0x6f: {  	[sflag:s8] =	ssyncset.done $0x0  }
0x70: {  	s0 =	rddreg [dreg:$0x15];
	[sflag:s8] =	ssyncadd.s32 $0xFFFFC180  }
0x71: {  	[spmem:s2] =	stream.indirect.scatter.add.f32 [tilespmem:s9], [sflag:$0x3], $0x20, s0, s7, $0xb8;
	[tilespmem:$0x11BC0] =	vst v63  }
0x72: {  	_ =	swait.ge [sflag:s6], $0x3E80  }
0x73: {  	[sflag:s6] =	ssyncset.done $0x0  }
0x74: {  	s0 =	rddreg [dreg:$0x16];
	[sflag:s6] =	ssyncadd.s32 $0xFFFFC180  }
0x75: {  	[tilespmem:s9], [sflag:$0x2] =	stream.indirect.gather [hbm4b:s3+s7], $0x20, s0, s7, $0xb8;
	[tilespmem:$0x11BC0] =	vst v63  }
0x76: {  	_ =	swait.ge [sflag:s10], $0x3E80  }
0x77: {  	[sflag:s10] =	ssyncset.done $0x0  }
0x78: {  	s0 =	rddreg [dreg:$0x17];
	[sflag:s10] =	ssyncadd.s32 $0xFFFFC180  }
0x79: {  	[spmem:s2] =	stream.indirect.scatter.add.f32 [tilespmem:s11], [sflag:$0x3], $0x20, s0, s7, $0xb8;
	[tilespmem:$0x11BC0] =	vst v63  }
0x7a: {  	_ =	swait.ge [sflag:s6], $0x3E80  }
0x7b: {  	[sflag:s6] =	ssyncset.done $0x0  }
0x7c: {  	s0 =	rddreg [dreg:$0x18];
	[sflag:s6] =	ssyncadd.s32 $0xFFFFC180  }
0x7d: {  	[tilespmem:s11], [sflag:$0x1] =	stream.indirect.gather [hbm4b:s3+s7], $0x20, s0, s7, $0xb8;
	[tilespmem:$0x11BC0] =	vst v63  }
0x7e: {  	_ =	swait.ge [sflag:s8], $0x3E80  }
0x7f: {  	[sflag:s8] =	ssyncset.done $0x0  }
0x80: {  	s0 =	rddreg [dreg:$0x19];
	[sflag:s8] =	ssyncadd.s32 $0xFFFFC180  }
0x81: {  	[spmem:s2] =	stream.indirect.scatter.add.f32 [tilespmem:s9], [sflag:$0x3], $0x20, s0, s7, $0xb8;
	[tilespmem:$0x11BC0] =	vst v63  }
0x82: {  	_ =	swait.ge [sflag:s6], $0x3E80  }
0x83: {  	[sflag:s6] =	ssyncset.done $0x0  }
0x84: {  	s0 =	rddreg [dreg:$0x1a];
	[sflag:s6] =	ssyncadd.s32 $0xFFFFC180  }
0x85: {  	[tilespmem:s9], [sflag:$0x2] =	stream.indirect.gather [hbm4b:s3+s7], $0x20, s0, s7, $0xb8;
	[tilespmem:$0x11BC0] =	vst v63  }
0x86: {  	_ =	swait.ge [sflag:s10], $0x3E80  }
0x87: {  	[sflag:s10] =	ssyncset.done $0x0  }
0x88: {  	s0 =	rddreg [dreg:$0x1b];
	[sflag:s10] =	ssyncadd.s32 $0xFFFFC180  }
0x89: {  	[spmem:s2] =	stream.indirect.scatter.add.f32 [tilespmem:s11], [sflag:$0x3], $0x20, s0, s7, $0xb8;
	[tilespmem:$0x11BC0] =	vst v63  }
0x8a: {  	_ =	swait.ge [sflag:s6], $0x3E80  }
0x8b: {  	[sflag:s6] =	ssyncset.done $0x0  }
0x8c: {  	s0 =	rddreg [dreg:$0x1c];
	[sflag:s6] =	ssyncadd.s32 $0xFFFFC180  }
0x8d: {  	[tilespmem:s11], [sflag:$0x1] =	stream.indirect.gather [hbm4b:s3+s7], $0x20, s0, s7, $0xb8;
	[tilespmem:$0x11BC0] =	vst v63  }
0x8e: {  	_ =	swait.ge [sflag:s8], $0x3E80  }
0x8f: {  	[sflag:s8] =	ssyncset.done $0x0  }
0x90: {  	[sflag:s8] =	ssyncadd.s32 $0xFFFFC180  }
0x91: {  	[spmem:s2] =	stream.indirect.scatter.add.f32 [tilespmem:s9], [sflag:$0x3], $0x20, s29, s7, $0xb8;
	[tilespmem:$0x11BC0] =	vst v63  }
0x92: {  	_ =	swait.ge [sflag:s6], $0x3E80  }
0x93: {  	[sflag:s6] =	ssyncset.done $0x0  }
0x94: {  	[sflag:s6] =	ssyncadd.s32 $0xFFFFC180  }
0x95: {  	[tilespmem:s9], [sflag:$0x2] =	stream.indirect.gather [hbm4b:s3+s7], $0x20, s28, s7, $0xb8;
	[tilespmem:$0x11BC0] =	vst v63  }
0x96: {  	_ =	swait.ge [sflag:s10], $0x3E80  }
0x97: {  	[sflag:s10] =	ssyncset.done $0x0  }
0x98: {  	[sflag:s10] =	ssyncadd.s32 $0xFFFFC180  }
0x99: {  	[spmem:s2] =	stream.indirect.scatter.add.f32 [tilespmem:s11], [sflag:$0x3], $0x20, s26, s7, $0xb8;
	[tilespmem:$0x11BC0] =	vst v63  }
0x9a: {  	_ =	swait.ge [sflag:s6], $0x3E80  }
0x9b: {  	[sflag:s6] =	ssyncset.done $0x0  }
0x9c: {  	[sflag:s6] =	ssyncadd.s32 $0xFFFFC180  }
0x9d: {  	[tilespmem:s11], [sflag:$0x1] =	stream.indirect.gather [hbm4b:s3+s7], $0x20, s25, s7, $0xb8;
	[tilespmem:$0x11BC0] =	vst v63  }
0x9e: {  	_ =	swait.ge [sflag:s8], $0x3E80  }
0x9f: {  	[sflag:s8] =	ssyncset.done $0x0  }
0xa0: {  	[sflag:s8] =	ssyncadd.s32 $0xFFFFC180  }
0xa1: {  	[spmem:s2] =	stream.indirect.scatter.add.f32 [tilespmem:s9], [sflag:$0x3], $0x20, s24, s7, $0xb8;
	[tilespmem:$0x11BC0] =	vst v63  }
0xa2: {  	_ =	swait.ge [sflag:s6], $0x3E80  }
0xa3: {  	[sflag:s6] =	ssyncset.done $0x0  }
0xa4: {  	[sflag:s6] =	ssyncadd.s32 $0xFFFFC180  }
0xa5: {  	[tilespmem:s9], [sflag:$0x2] =	stream.indirect.gather [hbm4b:s3+s7], $0x20, s23, s7, $0xb8;
	[tilespmem:$0x11BC0] =	vst v63  }
0xa6: {  	_ =	swait.ge [sflag:s10], $0x3E80  }
0xa7: {  	[sflag:s10] =	ssyncset.done $0x0  }
0xa8: {  	[sflag:s10] =	ssyncadd.s32 $0xFFFFC180  }
0xa9: {  	[spmem:s2] =	stream.indirect.scatter.add.f32 [tilespmem:s11], [sflag:$0x3], $0x20, s22, s7, $0xb8;
	[tilespmem:$0x11BC0] =	vst v63  }
0xaa: {  	_ =	swait.ge [sflag:s6], $0x3E80  }
0xab: {  	[sflag:s6] =	ssyncset.done $0x0  }
0xac: {  	[sflag:s6] =	ssyncadd.s32 $0xFFFFC180  }
0xad: {  	[tilespmem:s11], [sflag:$0x1] =	stream.indirect.gather [hbm4b:s3+s7], $0x20, s21, s7, $0xb8;
	[tilespmem:$0x11BC0] =	vst v63  }
0xae: {  	_ =	swait.ge [sflag:s8], $0x3E80  }
0xaf: {  	[sflag:s8] =	ssyncset.done $0x0  }
0xb0: {  	[sflag:s8] =	ssyncadd.s32 $0xFFFFC180  }
0xb1: {  	[spmem:s2] =	stream.indirect.scatter.add.f32 [tilespmem:s9], [sflag:$0x3], $0x20, s20, s7, $0xb8;
	[tilespmem:$0x11BC0] =	vst v63  }
0xb2: {  	_ =	swait.ge [sflag:s6], $0x3E80  }
0xb3: {  	[sflag:s6] =	ssyncset.done $0x0  }
0xb4: {  	[sflag:s6] =	ssyncadd.s32 $0xFFFFC180  }
0xb5: {  	[tilespmem:s9], [sflag:$0x2] =	stream.indirect.gather [hbm4b:s3+s7], $0x20, s18, s7, $0xb8;
	[tilespmem:$0x11BC0] =	vst v63  }
0xb6: {  	_ =	swait.ge [sflag:s10], $0x3E80  }
0xb7: {  	[sflag:s10] =	ssyncset.done $0x0  }
0xb8: {  	[sflag:s10] =	ssyncadd.s32 $0xFFFFC180  }
0xb9: {  	[spmem:s2] =	stream.indirect.scatter.add.f32 [tilespmem:s11], [sflag:$0x3], $0x20, s19, s7, $0xb8;
	[tilespmem:$0x11BC0] =	vst v63  }
0xba: {  	_ =	swait.ge [sflag:s6], $0x3E80  }
0xbb: {  	[sflag:s6] =	ssyncset.done $0x0  }
0xbc: {  	[sflag:s6] =	ssyncadd.s32 $0xFFFFC180  }
0xbd: {  	[tilespmem:s11], [sflag:$0x1] =	stream.indirect.gather [hbm4b:s3+s7], $0x20, s17, s7, $0xb8;
	[tilespmem:$0x11BC0] =	vst v63  }
0xbe: {  	_ =	swait.ge [sflag:s8], $0x3E80  }
0xbf: {  	[sflag:s8] =	ssyncset.done $0x0  }
0xc0: {  	[sflag:s8] =	ssyncadd.s32 $0xFFFFC180  }
0xc1: {  	[spmem:s2] =	stream.indirect.scatter.add.f32 [tilespmem:s9], [sflag:$0x3], $0x20, s16, s7, $0xb8;
	[tilespmem:$0x11BC0] =	vst v63  }
0xc2: {  	_ =	swait.ge [sflag:s6], $0x3E80  }
0xc3: {  	[sflag:s6] =	ssyncset.done $0x0  }
0xc4: {  	[sflag:s6] =	ssyncadd.s32 $0xFFFFC180  }
0xc5: {  	[tilespmem:s9], [sflag:$0x2] =	stream.indirect.gather [hbm4b:s3+s7], $0x20, s13, s7, $0xb8;
	[tilespmem:$0x11BC0] =	vst v63  }
0xc6: {  	_ =	swait.ge [sflag:s10], $0x3E80  }
0xc7: {  	[sflag:s10] =	ssyncset.done $0x0  }
0xc8: {  	[sflag:s10] =	ssyncadd.s32 $0xFFFFC180  }
0xc9: {  	[spmem:s2] =	stream.indirect.scatter.add.f32 [tilespmem:s11], [sflag:$0x3], $0x20, s15, s7, $0xb8;
	[tilespmem:$0x11BC0] =	vst v63  }
0xca: {  	_ =	swait.ge [sflag:s6], $0x3E80  }
0xcb: {  	[sflag:s6] =	ssyncset.done $0x0  }
0xcc: {  	[sflag:s6] =	ssyncadd.s32 $0xFFFFC180  }
0xcd: {  	[tilespmem:s11], [sflag:$0x1] =	stream.indirect.gather [hbm4b:s3+s7], $0x20, s13, s7, $0xb8;
	[tilespmem:$0x11BC0] =	vst v63  }
0xce: {  	_ =	swait.ge [sflag:s8], $0x3E80  }
0xcf: {  	[sflag:s8] =	ssyncset.done $0x0  }
0xd0: {  	[sflag:s8] =	ssyncadd.s32 $0xFFFFC180  }
0xd1: {  	[spmem:s2] =	stream.indirect.scatter.add.f32 [tilespmem:s9], [sflag:$0x3], $0x20, s14, s7, $0xb8;
	[tilespmem:$0x11BC0] =	vst v63  }
0xd2: {  	_ =	swait.ge [sflag:s6], $0x3E80  }
0xd3: {  	[sflag:s6] =	ssyncset.done $0x0  }
0xd4: {  	[sflag:s6] =	ssyncadd.s32 $0xFFFFC180  }
0xd5: {  	[tilespmem:s9], [sflag:$0x2] =	stream.indirect.gather [hbm4b:s3+s7], $0x20, s13, s7, $0xb8;
	[tilespmem:$0x11BC0] =	vst v63  }
0xd6: {  	_ =	swait.ge [sflag:s10], $0x3E80  }
0xd7: {  	[sflag:s10] =	ssyncset.done $0x0  }
0xd8: {  	[sflag:s10] =	ssyncadd.s32 $0xFFFFC180  }
0xd9: {  	_ =	swait.ge [sflag:s8], $0x3E80  }
0xda: {  	p1 =	sne.s32 s1, $0x1;
	[sflag:s8] =	ssyncset.done $0x0  }
.Ltmp1:
0xdb: {  	[sflag:s8] =	ssyncadd.s32 $0xFFFFC180;
	(pc) =	sbr.rel @!p1 .LBB2_3-.Ltmp1, $4  }
0xdc: {  	[bflag:$0x0] =	sbarrier.arrive $0xFFFF  }
0xdd: {  	[hbm:s12], [sflag:s4] =	dma.local [spmem:s5], $0xA00  }
0xde: {  	s1 =	sadd.s32 $0xFFFFFFFF, s1;
	_ =	swait.ge [sflag:s6], $0xA00  }
0xdf: {  	p0 =	por $0x1, $0x1;
	s0 =	rddreg [dreg:$0x4];
	[sflag:s6] =	ssyncset.done $0x0  }
.LBB2_2:
0xe0: {  	[sflag:s6] =	ssyncadd.s32 $0xFFFFF600  }
0xe1: {  	[spmem:s5], [sflag:s4] =	dma.local [hbm:s0], $0xA00  }
0xe2: {  	_ =	swait.ge [sflag:s6], $0xA00  }
0xe3: {  	[sflag:s6] =	ssyncset.done $0x0  }
0xe4: {  	s0 =	rddreg [dreg:$0x5];
	[sflag:s6] =	ssyncadd.s32 $0xFFFFF600  }
0xe5: {  	[tilespmem:s30], [sflag:$0x3] =	stream.linear.gather [hbm4b:s0+s30], $0x2760, $0x38;
	[tilespmem:$0x11BC0] =	vst v63  }
0xe6: {  	_ =	swait.ge [sflag:s6], $0x2760  }
0xe7: {  	[sflag:s6] =	ssyncset.done $0x0  }
0xe8: {  	s0 =	rddreg [dreg:$0x6];
	[sflag:s6] =	ssyncadd.s32 $0xFFFFD8A0  }
0xe9: {  	[tilespmem:s31], [sflag:$0x3] =	stream.linear.gather [hbm4b:s0+s30], $0x2760, $0x38;
	[tilespmem:$0x11BC0] =	vst v63  }
0xea: {  	_ =	swait.ge [sflag:s6], $0x2760  }
0xeb: {  	[sflag:s6] =	ssyncset.done $0x0  }
0xec: {  	[sflag:s6] =	ssyncadd.s32 $0xFFFFD8A0  }
0xed: {  	[bflag:$0x0] =	sbarrier.arrive $0xFFFF  }
0xee: {  	[tilespmem:s11], [sflag:$0x1] =	stream.indirect.gather [hbm4b:s3+s7], $0x20, s30, s7, $0xb8;
	[tilespmem:$0x11BC0] =	vst v63  }
0xef: {  	s0 =	rddreg [dreg:$0x7]  }
0xf0: {  	[tilespmem:s9], [sflag:$0x2] =	stream.indirect.gather [hbm4b:s3+s7], $0x20, s0, s7, $0xb8;
	[tilespmem:$0x11BC0] =	vst v63  }
0xf1: {  	_ =	swait.ge [sflag:s10], $0x3E80  }
0xf2: {  	[sflag:s10] =	ssyncset.done $0x0  }
0xf3: {  	[sflag:s10] =	ssyncadd.s32 $0xFFFFC180  }
0xf4: {  	[spmem:s2] =	stream.indirect.scatter.add.f32 [tilespmem:s11], [sflag:$0x3], $0x20, s31, s7, $0xb8;
	[tilespmem:$0x11BC0] =	vst v63  }
0xf5: {  	_ =	swait.ge [sflag:s6], $0x3E80  }
0xf6: {  	[sflag:s6] =	ssyncset.done $0x0  }
0xf7: {  	s0 =	rddreg [dreg:$0x8];
	[sflag:s6] =	ssyncadd.s32 $0xFFFFC180  }
0xf8: {  	[tilespmem:s11], [sflag:$0x1] =	stream.indirect.gather [hbm4b:s3+s7], $0x20, s0, s7, $0xb8;
	[tilespmem:$0x11BC0] =	vst v63  }
0xf9: {  	_ =	swait.ge [sflag:s8], $0x3E80  }
0xfa: {  	[sflag:s8] =	ssyncset.done $0x0  }
0xfb: {  	s0 =	rddreg [dreg:$0x9];
	[sflag:s8] =	ssyncadd.s32 $0xFFFFC180  }
0xfc: {  	[spmem:s2] =	stream.indirect.scatter.add.f32 [tilespmem:s9], [sflag:$0x3], $0x20, s0, s7, $0xb8;
	[tilespmem:$0x11BC0] =	vst v63  }
0xfd: {  	_ =	swait.ge [sflag:s6], $0x3E80  }
0xfe: {  	[sflag:s6] =	ssyncset.done $0x0  }
0xff: {  	s0 =	rddreg [dreg:$0xa];
	[sflag:s6] =	ssyncadd.s32 $0xFFFFC180  }
0x100: {  	[tilespmem:s9], [sflag:$0x2] =	stream.indirect.gather [hbm4b:s3+s7], $0x20, s0, s7, $0xb8;
	[tilespmem:$0x11BC0] =	vst v63  }
0x101: {  	_ =	swait.ge [sflag:s10], $0x3E80  }
0x102: {  	[sflag:s10] =	ssyncset.done $0x0  }
0x103: {  	s0 =	rddreg [dreg:$0xb];
	[sflag:s10] =	ssyncadd.s32 $0xFFFFC180  }
0x104: {  	[spmem:s2] =	stream.indirect.scatter.add.f32 [tilespmem:s11], [sflag:$0x3], $0x20, s0, s7, $0xb8;
	[tilespmem:$0x11BC0] =	vst v63  }
0x105: {  	_ =	swait.ge [sflag:s6], $0x3E80  }
0x106: {  	[sflag:s6] =	ssyncset.done $0x0  }
0x107: {  	s0 =	rddreg [dreg:$0xc];
	[sflag:s6] =	ssyncadd.s32 $0xFFFFC180  }
0x108: {  	[tilespmem:s11], [sflag:$0x1] =	stream.indirect.gather [hbm4b:s3+s7], $0x20, s0, s7, $0xb8;
	[tilespmem:$0x11BC0] =	vst v63  }
0x109: {  	_ =	swait.ge [sflag:s8], $0x3E80  }
0x10a: {  	[sflag:s8] =	ssyncset.done $0x0  }
0x10b: {  	s0 =	rddreg [dreg:$0xd];
	[sflag:s8] =	ssyncadd.s32 $0xFFFFC180  }
0x10c: {  	[spmem:s2] =	stream.indirect.scatter.add.f32 [tilespmem:s9], [sflag:$0x3], $0x20, s0, s7, $0xb8;
	[tilespmem:$0x11BC0] =	vst v63  }
0x10d: {  	_ =	swait.ge [sflag:s6], $0x3E80  }
0x10e: {  	[sflag:s6] =	ssyncset.done $0x0  }
0x10f: {  	s0 =	rddreg [dreg:$0xe];
	[sflag:s6] =	ssyncadd.s32 $0xFFFFC180  }
0x110: {  	[tilespmem:s9], [sflag:$0x2] =	stream.indirect.gather [hbm4b:s3+s7], $0x20, s0, s7, $0xb8;
	[tilespmem:$0x11BC0] =	vst v63  }
0x111: {  	_ =	swait.ge [sflag:s10], $0x3E80  }
0x112: {  	[sflag:s10] =	ssyncset.done $0x0  }
0x113: {  	s0 =	rddreg [dreg:$0xf];
	[sflag:s10] =	ssyncadd.s32 $0xFFFFC180  }
0x114: {  	[spmem:s2] =	stream.indirect.scatter.add.f32 [tilespmem:s11], [sflag:$0x3], $0x20, s0, s7, $0xb8;
	[tilespmem:$0x11BC0] =	vst v63  }
0x115: {  	_ =	swait.ge [sflag:s6], $0x3E80  }
0x116: {  	[sflag:s6] =	ssyncset.done $0x0  }
0x117: {  	s0 =	rddreg [dreg:$0x10];
	[sflag:s6] =	ssyncadd.s32 $0xFFFFC180  }
0x118: {  	[tilespmem:s11], [sflag:$0x1] =	stream.indirect.gather [hbm4b:s3+s7], $0x20, s0, s7, $0xb8;
	[tilespmem:$0x11BC0] =	vst v63  }
0x119: {  	_ =	swait.ge [sflag:s8], $0x3E80  }
0x11a: {  	[sflag:s8] =	ssyncset.done $0x0  }
0x11b: {  	s0 =	rddreg [dreg:$0x11];
	[sflag:s8] =	ssyncadd.s32 $0xFFFFC180  }
0x11c: {  	[spmem:s2] =	stream.indirect.scatter.add.f32 [tilespmem:s9], [sflag:$0x3], $0x20, s0, s7, $0xb8;
	[tilespmem:$0x11BC0] =	vst v63  }
0x11d: {  	_ =	swait.ge [sflag:s6], $0x3E80  }
0x11e: {  	[sflag:s6] =	ssyncset.done $0x0  }
0x11f: {  	s0 =	rddreg [dreg:$0x12];
	[sflag:s6] =	ssyncadd.s32 $0xFFFFC180  }
0x120: {  	[tilespmem:s9], [sflag:$0x2] =	stream.indirect.gather [hbm4b:s3+s7], $0x20, s0, s7, $0xb8;
	[tilespmem:$0x11BC0] =	vst v63  }
0x121: {  	_ =	swait.ge [sflag:s10], $0x3E80  }
0x122: {  	[sflag:s10] =	ssyncset.done $0x0  }
0x123: {  	s0 =	rddreg [dreg:$0x13];
	[sflag:s10] =	ssyncadd.s32 $0xFFFFC180  }
0x124: {  	[spmem:s2] =	stream.indirect.scatter.add.f32 [tilespmem:s11], [sflag:$0x3], $0x20, s0, s7, $0xb8;
	[tilespmem:$0x11BC0] =	vst v63  }
0x125: {  	_ =	swait.ge [sflag:s6], $0x3E80  }
0x126: {  	[sflag:s6] =	ssyncset.done $0x0  }
0x127: {  	s0 =	rddreg [dreg:$0x14];
	[sflag:s6] =	ssyncadd.s32 $0xFFFFC180  }
0x128: {  	[tilespmem:s11], [sflag:$0x1] =	stream.indirect.gather [hbm4b:s3+s7], $0x20, s0, s7, $0xb8;
	[tilespmem:$0x11BC0] =	vst v63  }
0x129: {  	_ =	swait.ge [sflag:s8], $0x3E80  }
0x12a: {  	[sflag:s8] =	ssyncset.done $0x0  }
0x12b: {  	s0 =	rddreg [dreg:$0x15];
	[sflag:s8] =	ssyncadd.s32 $0xFFFFC180  }
0x12c: {  	[spmem:s2] =	stream.indirect.scatter.add.f32 [tilespmem:s9], [sflag:$0x3], $0x20, s0, s7, $0xb8;
	[tilespmem:$0x11BC0] =	vst v63  }
0x12d: {  	_ =	swait.ge [sflag:s6], $0x3E80  }
0x12e: {  	[sflag:s6] =	ssyncset.done $0x0  }
0x12f: {  	s0 =	rddreg [dreg:$0x16];
	[sflag:s6] =	ssyncadd.s32 $0xFFFFC180  }
0x130: {  	[tilespmem:s9], [sflag:$0x2] =	stream.indirect.gather [hbm4b:s3+s7], $0x20, s0, s7, $0xb8;
	[tilespmem:$0x11BC0] =	vst v63  }
0x131: {  	_ =	swait.ge [sflag:s10], $0x3E80  }
0x132: {  	[sflag:s10] =	ssyncset.done $0x0  }
0x133: {  	s0 =	rddreg [dreg:$0x17];
	[sflag:s10] =	ssyncadd.s32 $0xFFFFC180  }
0x134: {  	[spmem:s2] =	stream.indirect.scatter.add.f32 [tilespmem:s11], [sflag:$0x3], $0x20, s0, s7, $0xb8;
	[tilespmem:$0x11BC0] =	vst v63  }
0x135: {  	_ =	swait.ge [sflag:s6], $0x3E80  }
0x136: {  	[sflag:s6] =	ssyncset.done $0x0  }
0x137: {  	s0 =	rddreg [dreg:$0x18];
	[sflag:s6] =	ssyncadd.s32 $0xFFFFC180  }
0x138: {  	[tilespmem:s11], [sflag:$0x1] =	stream.indirect.gather [hbm4b:s3+s7], $0x20, s0, s7, $0xb8;
	[tilespmem:$0x11BC0] =	vst v63  }
0x139: {  	_ =	swait.ge [sflag:s8], $0x3E80  }
0x13a: {  	[sflag:s8] =	ssyncset.done $0x0  }
0x13b: {  	s0 =	rddreg [dreg:$0x19];
	[sflag:s8] =	ssyncadd.s32 $0xFFFFC180  }
0x13c: {  	[spmem:s2] =	stream.indirect.scatter.add.f32 [tilespmem:s9], [sflag:$0x3], $0x20, s0, s7, $0xb8;
	[tilespmem:$0x11BC0] =	vst v63  }
0x13d: {  	_ =	swait.ge [sflag:s6], $0x3E80  }
0x13e: {  	[sflag:s6] =	ssyncset.done $0x0  }
0x13f: {  	s0 =	rddreg [dreg:$0x1a];
	[sflag:s6] =	ssyncadd.s32 $0xFFFFC180  }
0x140: {  	[tilespmem:s9], [sflag:$0x2] =	stream.indirect.gather [hbm4b:s3+s7], $0x20, s0, s7, $0xb8;
	[tilespmem:$0x11BC0] =	vst v63  }
0x141: {  	_ =	swait.ge [sflag:s10], $0x3E80  }
0x142: {  	[sflag:s10] =	ssyncset.done $0x0  }
0x143: {  	s0 =	rddreg [dreg:$0x1b];
	[sflag:s10] =	ssyncadd.s32 $0xFFFFC180  }
0x144: {  	[spmem:s2] =	stream.indirect.scatter.add.f32 [tilespmem:s11], [sflag:$0x3], $0x20, s0, s7, $0xb8;
	[tilespmem:$0x11BC0] =	vst v63  }
0x145: {  	_ =	swait.ge [sflag:s6], $0x3E80  }
0x146: {  	[sflag:s6] =	ssyncset.done $0x0  }
0x147: {  	s0 =	rddreg [dreg:$0x1c];
	[sflag:s6] =	ssyncadd.s32 $0xFFFFC180  }
0x148: {  	[tilespmem:s11], [sflag:$0x1] =	stream.indirect.gather [hbm4b:s3+s7], $0x20, s0, s7, $0xb8;
	[tilespmem:$0x11BC0] =	vst v63  }
0x149: {  	_ =	swait.ge [sflag:s8], $0x3E80  }
0x14a: {  	[sflag:s8] =	ssyncset.done $0x0  }
0x14b: {  	[sflag:s8] =	ssyncadd.s32 $0xFFFFC180  }
0x14c: {  	[spmem:s2] =	stream.indirect.scatter.add.f32 [tilespmem:s9], [sflag:$0x3], $0x20, s29, s7, $0xb8;
	[tilespmem:$0x11BC0] =	vst v63  }
0x14d: {  	_ =	swait.ge [sflag:s6], $0x3E80  }
0x14e: {  	[sflag:s6] =	ssyncset.done $0x0  }
0x14f: {  	[sflag:s6] =	ssyncadd.s32 $0xFFFFC180  }
0x150: {  	[tilespmem:s9], [sflag:$0x2] =	stream.indirect.gather [hbm4b:s3+s7], $0x20, s28, s7, $0xb8;
	[tilespmem:$0x11BC0] =	vst v63  }
0x151: {  	_ =	swait.ge [sflag:s10], $0x3E80  }
0x152: {  	[sflag:s10] =	ssyncset.done $0x0  }
0x153: {  	[sflag:s10] =	ssyncadd.s32 $0xFFFFC180  }
0x154: {  	[spmem:s2] =	stream.indirect.scatter.add.f32 [tilespmem:s11], [sflag:$0x3], $0x20, s26, s7, $0xb8;
	[tilespmem:$0x11BC0] =	vst v63  }
0x155: {  	_ =	swait.ge [sflag:s6], $0x3E80  }
0x156: {  	[sflag:s6] =	ssyncset.done $0x0  }
0x157: {  	[sflag:s6] =	ssyncadd.s32 $0xFFFFC180  }
0x158: {  	[tilespmem:s11], [sflag:$0x1] =	stream.indirect.gather [hbm4b:s3+s7], $0x20, s25, s7, $0xb8;
	[tilespmem:$0x11BC0] =	vst v63  }
0x159: {  	_ =	swait.ge [sflag:s8], $0x3E80  }
0x15a: {  	[sflag:s8] =	ssyncset.done $0x0  }
0x15b: {  	[sflag:s8] =	ssyncadd.s32 $0xFFFFC180  }
0x15c: {  	[spmem:s2] =	stream.indirect.scatter.add.f32 [tilespmem:s9], [sflag:$0x3], $0x20, s24, s7, $0xb8;
	[tilespmem:$0x11BC0] =	vst v63  }
0x15d: {  	_ =	swait.ge [sflag:s6], $0x3E80  }
0x15e: {  	[sflag:s6] =	ssyncset.done $0x0  }
0x15f: {  	[sflag:s6] =	ssyncadd.s32 $0xFFFFC180  }
0x160: {  	[tilespmem:s9], [sflag:$0x2] =	stream.indirect.gather [hbm4b:s3+s7], $0x20, s23, s7, $0xb8;
	[tilespmem:$0x11BC0] =	vst v63  }
0x161: {  	_ =	swait.ge [sflag:s10], $0x3E80  }
0x162: {  	[sflag:s10] =	ssyncset.done $0x0  }
0x163: {  	[sflag:s10] =	ssyncadd.s32 $0xFFFFC180  }
0x164: {  	[spmem:s2] =	stream.indirect.scatter.add.f32 [tilespmem:s11], [sflag:$0x3], $0x20, s22, s7, $0xb8;
	[tilespmem:$0x11BC0] =	vst v63  }
0x165: {  	_ =	swait.ge [sflag:s6], $0x3E80  }
0x166: {  	[sflag:s6] =	ssyncset.done $0x0  }
0x167: {  	[sflag:s6] =	ssyncadd.s32 $0xFFFFC180  }
0x168: {  	[tilespmem:s11], [sflag:$0x1] =	stream.indirect.gather [hbm4b:s3+s7], $0x20, s21, s7, $0xb8;
	[tilespmem:$0x11BC0] =	vst v63  }
0x169: {  	_ =	swait.ge [sflag:s8], $0x3E80  }
0x16a: {  	[sflag:s8] =	ssyncset.done $0x0  }
0x16b: {  	[sflag:s8] =	ssyncadd.s32 $0xFFFFC180  }
0x16c: {  	[spmem:s2] =	stream.indirect.scatter.add.f32 [tilespmem:s9], [sflag:$0x3], $0x20, s20, s7, $0xb8;
	[tilespmem:$0x11BC0] =	vst v63  }
0x16d: {  	_ =	swait.ge [sflag:s6], $0x3E80  }
0x16e: {  	[sflag:s6] =	ssyncset.done $0x0  }
0x16f: {  	[sflag:s6] =	ssyncadd.s32 $0xFFFFC180  }
0x170: {  	[tilespmem:s9], [sflag:$0x2] =	stream.indirect.gather [hbm4b:s3+s7], $0x20, s18, s7, $0xb8;
	[tilespmem:$0x11BC0] =	vst v63  }
0x171: {  	_ =	swait.ge [sflag:s10], $0x3E80  }
0x172: {  	[sflag:s10] =	ssyncset.done $0x0  }
0x173: {  	[sflag:s10] =	ssyncadd.s32 $0xFFFFC180  }
0x174: {  	[spmem:s2] =	stream.indirect.scatter.add.f32 [tilespmem:s11], [sflag:$0x3], $0x20, s19, s7, $0xb8;
	[tilespmem:$0x11BC0] =	vst v63  }
0x175: {  	_ =	swait.ge [sflag:s6], $0x3E80  }
0x176: {  	[sflag:s6] =	ssyncset.done $0x0  }
0x177: {  	[sflag:s6] =	ssyncadd.s32 $0xFFFFC180  }
0x178: {  	[tilespmem:s11], [sflag:$0x1] =	stream.indirect.gather [hbm4b:s3+s7], $0x20, s17, s7, $0xb8;
	[tilespmem:$0x11BC0] =	vst v63  }
0x179: {  	_ =	swait.ge [sflag:s8], $0x3E80  }
0x17a: {  	[sflag:s8] =	ssyncset.done $0x0  }
0x17b: {  	[sflag:s8] =	ssyncadd.s32 $0xFFFFC180  }
0x17c: {  	[spmem:s2] =	stream.indirect.scatter.add.f32 [tilespmem:s9], [sflag:$0x3], $0x20, s16, s7, $0xb8;
	[tilespmem:$0x11BC0] =	vst v63  }
0x17d: {  	_ =	swait.ge [sflag:s6], $0x3E80  }
0x17e: {  	[sflag:s6] =	ssyncset.done $0x0  }
0x17f: {  	[sflag:s6] =	ssyncadd.s32 $0xFFFFC180  }
0x180: {  	[tilespmem:s9], [sflag:$0x2] =	stream.indirect.gather [hbm4b:s3+s7], $0x20, s13, s7, $0xb8;
	[tilespmem:$0x11BC0] =	vst v63  }
0x181: {  	_ =	swait.ge [sflag:s10], $0x3E80  }
0x182: {  	[sflag:s10] =	ssyncset.done $0x0  }
0x183: {  	[sflag:s10] =	ssyncadd.s32 $0xFFFFC180  }
0x184: {  	[spmem:s2] =	stream.indirect.scatter.add.f32 [tilespmem:s11], [sflag:$0x3], $0x20, s15, s7, $0xb8;
	[tilespmem:$0x11BC0] =	vst v63  }
0x185: {  	_ =	swait.ge [sflag:s6], $0x3E80  }
0x186: {  	[sflag:s6] =	ssyncset.done $0x0  }
0x187: {  	[sflag:s6] =	ssyncadd.s32 $0xFFFFC180  }
0x188: {  	[tilespmem:s11], [sflag:$0x1] =	stream.indirect.gather [hbm4b:s3+s7], $0x20, s13, s7, $0xb8;
	[tilespmem:$0x11BC0] =	vst v63  }
0x189: {  	_ =	swait.ge [sflag:s8], $0x3E80  }
0x18a: {  	[sflag:s8] =	ssyncset.done $0x0  }
0x18b: {  	[sflag:s8] =	ssyncadd.s32 $0xFFFFC180  }
0x18c: {  	[spmem:s2] =	stream.indirect.scatter.add.f32 [tilespmem:s9], [sflag:$0x3], $0x20, s14, s7, $0xb8;
	[tilespmem:$0x11BC0] =	vst v63  }
0x18d: {  	_ =	swait.ge [sflag:s6], $0x3E80  }
0x18e: {  	[sflag:s6] =	ssyncset.done $0x0  }
0x18f: {  	[sflag:s6] =	ssyncadd.s32 $0xFFFFC180  }
0x190: {  	[tilespmem:s9], [sflag:$0x2] =	stream.indirect.gather [hbm4b:s3+s7], $0x20, s13, s7, $0xb8;
	[tilespmem:$0x11BC0] =	vst v63  }
0x191: {  	_ =	swait.ge [sflag:s10], $0x3E80  }
0x192: {  	[sflag:s10] =	ssyncset.done $0x0  }
0x193: {  	[sflag:s10] =	ssyncadd.s32 $0xFFFFC180  }
0x194: {  	_ =	swait.ge [sflag:s8], $0x3E80  }
0x195: {  	p1 =	sne.s32 s1, $0x1;
	[sflag:s8] =	ssyncset.done $0x0  }
.Ltmp2:
0x196: {  	[sflag:s8] =	ssyncadd.s32 $0xFFFFC180;
	(pc) =	sbr.rel @p1 .LBB2_2-.Ltmp2, $4  }
0x197: {  	[bflag:$0x0] =	sbarrier.arrive $0xFFFF  }
0x198: {  	[hbm:s12], [sflag:s4] =	dma.local [spmem:s5], $0xA00  }
0x199: {  	_ =	swait.ge [sflag:s6], $0xA00  }
0x19a: {  	s1 =	sadd.s32 $0xFFFFFFFF, s1;
	s0 =	rddreg [dreg:$0x4];
	[sflag:s6] =	ssyncset.done $0x0  }
.LBB2_3:
0x19b: {  	[sflag:s6] =	ssyncadd.s32 @p0 $0xFFFFF600  }
0x19c: {  	[spmem:s5], [sflag:s4] =	dma.local [hbm:s0], $0xA00  }
0x19d: {  	_ =	swait.ge [sflag:s6], $0xA00  }
0x19e: {  	[sflag:s6] =	ssyncset.done $0x0  }
0x19f: {  	s1 =	rddreg [dreg:$0x5];
	[sflag:s6] =	ssyncadd.s32 $0xFFFFF600  }
0x1a0: {  	[tilespmem:s30], [sflag:$0x3] =	stream.linear.gather [hbm4b:s1+s30], $0x2760, $0x38;
	[tilespmem:$0x11BC0] =	vst v63  }
0x1a1: {  	_ =	swait.ge [sflag:s6], $0x2760  }
0x1a2: {  	[sflag:s6] =	ssyncset.done $0x0  }
0x1a3: {  	s1 =	rddreg [dreg:$0x6];
	[sflag:s6] =	ssyncadd.s32 $0xFFFFD8A0  }
0x1a4: {  	[tilespmem:s31], [sflag:$0x3] =	stream.linear.gather [hbm4b:s1+s30], $0x2760, $0x38;
	[tilespmem:$0x11BC0] =	vst v63  }
0x1a5: {  	_ =	swait.ge [sflag:s6], $0x2760  }
0x1a6: {  	[sflag:s6] =	ssyncset.done $0x0  }
0x1a7: {  	[sflag:s6] =	ssyncadd.s32 $0xFFFFD8A0  }
0x1a8: {  	[bflag:$0x0] =	sbarrier.arrive $0xFFFF  }
0x1a9: {  	[tilespmem:s11], [sflag:$0x1] =	stream.indirect.gather [hbm4b:s3+s7], $0x20, s30, s7, $0xb8;
	[tilespmem:$0x11BC0] =	vst v63  }
0x1aa: {  	s1 =	rddreg [dreg:$0x7]  }
0x1ab: {  	[tilespmem:s9], [sflag:$0x2] =	stream.indirect.gather [hbm4b:s3+s7], $0x20, s1, s7, $0xb8;
	[tilespmem:$0x11BC0] =	vst v63  }
0x1ac: {  	_ =	swait.ge [sflag:s10], $0x3E80  }
0x1ad: {  	[sflag:s10] =	ssyncset.done $0x0  }
0x1ae: {  	[sflag:s10] =	ssyncadd.s32 $0xFFFFC180  }
0x1af: {  	[spmem:s2] =	stream.indirect.scatter.add.f32 [tilespmem:s11], [sflag:$0x3], $0x20, s31, s7, $0xb8;
	[tilespmem:$0x11BC0] =	vst v63  }
0x1b0: {  	_ =	swait.ge [sflag:s6], $0x3E80  }
0x1b1: {  	[sflag:s6] =	ssyncset.done $0x0  }
0x1b2: {  	s31 =	rddreg [dreg:$0x8];
	[sflag:s6] =	ssyncadd.s32 $0xFFFFC180  }
0x1b3: {  	[tilespmem:s11], [sflag:$0x1] =	stream.indirect.gather [hbm4b:s3+s7], $0x20, s31, s7, $0xb8;
	[tilespmem:$0x11BC0] =	vst v63  }
0x1b4: {  	_ =	swait.ge [sflag:s8], $0x3E80  }
0x1b5: {  	[sflag:s8] =	ssyncset.done $0x0  }
0x1b6: {  	s1 =	rddreg [dreg:$0x9];
	[sflag:s8] =	ssyncadd.s32 $0xFFFFC180  }
0x1b7: {  	[spmem:s2] =	stream.indirect.scatter.add.f32 [tilespmem:s9], [sflag:$0x3], $0x20, s1, s7, $0xb8;
	[tilespmem:$0x11BC0] =	vst v63  }
0x1b8: {  	_ =	swait.ge [sflag:s6], $0x3E80  }
0x1b9: {  	[sflag:s6] =	ssyncset.done $0x0  }
0x1ba: {  	s30 =	rddreg [dreg:$0xa];
	[sflag:s6] =	ssyncadd.s32 $0xFFFFC180  }
0x1bb: {  	[tilespmem:s9], [sflag:$0x2] =	stream.indirect.gather [hbm4b:s3+s7], $0x20, s30, s7, $0xb8;
	[tilespmem:$0x11BC0] =	vst v63  }
0x1bc: {  	_ =	swait.ge [sflag:s10], $0x3E80  }
0x1bd: {  	[sflag:s10] =	ssyncset.done $0x0  }
0x1be: {  	s31 =	rddreg [dreg:$0xb];
	[sflag:s10] =	ssyncadd.s32 $0xFFFFC180  }
0x1bf: {  	[spmem:s2] =	stream.indirect.scatter.add.f32 [tilespmem:s11], [sflag:$0x3], $0x20, s31, s7, $0xb8;
	[tilespmem:$0x11BC0] =	vst v63  }
0x1c0: {  	_ =	swait.ge [sflag:s6], $0x3E80  }
0x1c1: {  	[sflag:s6] =	ssyncset.done $0x0  }
0x1c2: {  	s1 =	rddreg [dreg:$0xc];
	[sflag:s6] =	ssyncadd.s32 $0xFFFFC180  }
0x1c3: {  	[tilespmem:s11], [sflag:$0x1] =	stream.indirect.gather [hbm4b:s3+s7], $0x20, s1, s7, $0xb8;
	[tilespmem:$0x11BC0] =	vst v63  }
0x1c4: {  	_ =	swait.ge [sflag:s8], $0x3E80  }
0x1c5: {  	[sflag:s8] =	ssyncset.done $0x0  }
0x1c6: {  	s30 =	rddreg [dreg:$0xd];
	[sflag:s8] =	ssyncadd.s32 $0xFFFFC180  }
0x1c7: {  	[spmem:s2] =	stream.indirect.scatter.add.f32 [tilespmem:s9], [sflag:$0x3], $0x20, s30, s7, $0xb8;
	[tilespmem:$0x11BC0] =	vst v63  }
0x1c8: {  	_ =	swait.ge [sflag:s6], $0x3E80  }
0x1c9: {  	[sflag:s6] =	ssyncset.done $0x0  }
0x1ca: {  	s31 =	rddreg [dreg:$0xe];
	[sflag:s6] =	ssyncadd.s32 $0xFFFFC180  }
0x1cb: {  	[tilespmem:s9], [sflag:$0x2] =	stream.indirect.gather [hbm4b:s3+s7], $0x20, s31, s7, $0xb8;
	[tilespmem:$0x11BC0] =	vst v63  }
0x1cc: {  	_ =	swait.ge [sflag:s10], $0x3E80  }
0x1cd: {  	[sflag:s10] =	ssyncset.done $0x0  }
0x1ce: {  	s1 =	rddreg [dreg:$0xf];
	[sflag:s10] =	ssyncadd.s32 $0xFFFFC180  }
0x1cf: {  	[spmem:s2] =	stream.indirect.scatter.add.f32 [tilespmem:s11], [sflag:$0x3], $0x20, s1, s7, $0xb8;
	[tilespmem:$0x11BC0] =	vst v63  }
0x1d0: {  	_ =	swait.ge [sflag:s6], $0x3E80  }
0x1d1: {  	[sflag:s6] =	ssyncset.done $0x0  }
0x1d2: {  	s30 =	rddreg [dreg:$0x10];
	[sflag:s6] =	ssyncadd.s32 $0xFFFFC180  }
0x1d3: {  	[tilespmem:s11], [sflag:$0x1] =	stream.indirect.gather [hbm4b:s3+s7], $0x20, s30, s7, $0xb8;
	[tilespmem:$0x11BC0] =	vst v63  }
0x1d4: {  	_ =	swait.ge [sflag:s8], $0x3E80  }
0x1d5: {  	[sflag:s8] =	ssyncset.done $0x0  }
0x1d6: {  	s31 =	rddreg [dreg:$0x11];
	[sflag:s8] =	ssyncadd.s32 $0xFFFFC180  }
0x1d7: {  	[spmem:s2] =	stream.indirect.scatter.add.f32 [tilespmem:s9], [sflag:$0x3], $0x20, s31, s7, $0xb8;
	[tilespmem:$0x11BC0] =	vst v63  }
0x1d8: {  	_ =	swait.ge [sflag:s6], $0x3E80  }
0x1d9: {  	[sflag:s6] =	ssyncset.done $0x0  }
0x1da: {  	s1 =	rddreg [dreg:$0x12];
	[sflag:s6] =	ssyncadd.s32 $0xFFFFC180  }
0x1db: {  	[tilespmem:s9], [sflag:$0x2] =	stream.indirect.gather [hbm4b:s3+s7], $0x20, s1, s7, $0xb8;
	[tilespmem:$0x11BC0] =	vst v63  }
0x1dc: {  	_ =	swait.ge [sflag:s10], $0x3E80  }
0x1dd: {  	[sflag:s10] =	ssyncset.done $0x0  }
0x1de: {  	s30 =	rddreg [dreg:$0x13];
	[sflag:s10] =	ssyncadd.s32 $0xFFFFC180  }
0x1df: {  	[spmem:s2] =	stream.indirect.scatter.add.f32 [tilespmem:s11], [sflag:$0x3], $0x20, s30, s7, $0xb8;
	[tilespmem:$0x11BC0] =	vst v63  }
0x1e0: {  	_ =	swait.ge [sflag:s6], $0x3E80  }
0x1e1: {  	[sflag:s6] =	ssyncset.done $0x0  }
0x1e2: {  	s31 =	rddreg [dreg:$0x14];
	[sflag:s6] =	ssyncadd.s32 $0xFFFFC180  }
0x1e3: {  	[tilespmem:s11], [sflag:$0x1] =	stream.indirect.gather [hbm4b:s3+s7], $0x20, s31, s7, $0xb8;
	[tilespmem:$0x11BC0] =	vst v63  }
0x1e4: {  	_ =	swait.ge [sflag:s8], $0x3E80  }
0x1e5: {  	[sflag:s8] =	ssyncset.done $0x0  }
0x1e6: {  	s1 =	rddreg [dreg:$0x15];
	[sflag:s8] =	ssyncadd.s32 $0xFFFFC180  }
0x1e7: {  	[spmem:s2] =	stream.indirect.scatter.add.f32 [tilespmem:s9], [sflag:$0x3], $0x20, s1, s7, $0xb8;
	[tilespmem:$0x11BC0] =	vst v63  }
0x1e8: {  	_ =	swait.ge [sflag:s6], $0x3E80  }
0x1e9: {  	[sflag:s6] =	ssyncset.done $0x0  }
0x1ea: {  	s30 =	rddreg [dreg:$0x16];
	[sflag:s6] =	ssyncadd.s32 $0xFFFFC180  }
0x1eb: {  	[tilespmem:s9], [sflag:$0x2] =	stream.indirect.gather [hbm4b:s3+s7], $0x20, s30, s7, $0xb8;
	[tilespmem:$0x11BC0] =	vst v63  }
0x1ec: {  	_ =	swait.ge [sflag:s10], $0x3E80  }
0x1ed: {  	[sflag:s10] =	ssyncset.done $0x0  }
0x1ee: {  	s31 =	rddreg [dreg:$0x17];
	[sflag:s10] =	ssyncadd.s32 $0xFFFFC180  }
0x1ef: {  	[spmem:s2] =	stream.indirect.scatter.add.f32 [tilespmem:s11], [sflag:$0x3], $0x20, s31, s7, $0xb8;
	[tilespmem:$0x11BC0] =	vst v63  }
0x1f0: {  	_ =	swait.ge [sflag:s6], $0x3E80  }
0x1f1: {  	[sflag:s6] =	ssyncset.done $0x0  }
0x1f2: {  	s1 =	rddreg [dreg:$0x18];
	[sflag:s6] =	ssyncadd.s32 $0xFFFFC180  }
0x1f3: {  	[tilespmem:s11], [sflag:$0x1] =	stream.indirect.gather [hbm4b:s3+s7], $0x20, s1, s7, $0xb8;
	[tilespmem:$0x11BC0] =	vst v63  }
0x1f4: {  	_ =	swait.ge [sflag:s8], $0x3E80  }
0x1f5: {  	[sflag:s8] =	ssyncset.done $0x0  }
0x1f6: {  	s30 =	rddreg [dreg:$0x19];
	[sflag:s8] =	ssyncadd.s32 $0xFFFFC180  }
0x1f7: {  	[spmem:s2] =	stream.indirect.scatter.add.f32 [tilespmem:s9], [sflag:$0x3], $0x20, s30, s7, $0xb8;
	[tilespmem:$0x11BC0] =	vst v63  }
0x1f8: {  	_ =	swait.ge [sflag:s6], $0x3E80  }
0x1f9: {  	[sflag:s6] =	ssyncset.done $0x0  }
0x1fa: {  	s31 =	rddreg [dreg:$0x1a];
	[sflag:s6] =	ssyncadd.s32 $0xFFFFC180  }
0x1fb: {  	[tilespmem:s9], [sflag:$0x2] =	stream.indirect.gather [hbm4b:s3+s7], $0x20, s31, s7, $0xb8;
	[tilespmem:$0x11BC0] =	vst v63  }
0x1fc: {  	_ =	swait.ge [sflag:s10], $0x3E80  }
0x1fd: {  	[sflag:s10] =	ssyncset.done $0x0  }
0x1fe: {  	s1 =	rddreg [dreg:$0x1b];
	[sflag:s10] =	ssyncadd.s32 $0xFFFFC180  }
0x1ff: {  	[spmem:s2] =	stream.indirect.scatter.add.f32 [tilespmem:s11], [sflag:$0x3], $0x20, s1, s7, $0xb8;
	[tilespmem:$0x11BC0] =	vst v63  }
0x200: {  	_ =	swait.ge [sflag:s6], $0x3E80  }
0x201: {  	[sflag:s6] =	ssyncset.done $0x0  }
0x202: {  	s30 =	rddreg [dreg:$0x1c];
	[sflag:s6] =	ssyncadd.s32 $0xFFFFC180  }
0x203: {  	[tilespmem:s11], [sflag:$0x1] =	stream.indirect.gather [hbm4b:s3+s7], $0x20, s30, s7, $0xb8;
	[tilespmem:$0x11BC0] =	vst v63  }
0x204: {  	_ =	swait.ge [sflag:s8], $0x3E80  }
0x205: {  	[sflag:s8] =	ssyncset.done $0x0  }
0x206: {  	[sflag:s8] =	ssyncadd.s32 $0xFFFFC180  }
0x207: {  	[spmem:s2] =	stream.indirect.scatter.add.f32 [tilespmem:s9], [sflag:$0x3], $0x20, s29, s7, $0xb8;
	[tilespmem:$0x11BC0] =	vst v63  }
0x208: {  	_ =	swait.ge [sflag:s6], $0x3E80  }
0x209: {  	[sflag:s6] =	ssyncset.done $0x0  }
0x20a: {  	[sflag:s6] =	ssyncadd.s32 $0xFFFFC180  }
0x20b: {  	[tilespmem:s9], [sflag:$0x2] =	stream.indirect.gather [hbm4b:s3+s7], $0x20, s28, s7, $0xb8;
	[tilespmem:$0x11BC0] =	vst v63  }
0x20c: {  	_ =	swait.ge [sflag:s10], $0x3E80  }
0x20d: {  	[sflag:s10] =	ssyncset.done $0x0  }
0x20e: {  	[sflag:s10] =	ssyncadd.s32 $0xFFFFC180  }
0x20f: {  	[spmem:s2] =	stream.indirect.scatter.add.f32 [tilespmem:s11], [sflag:$0x3], $0x20, s26, s7, $0xb8;
	[tilespmem:$0x11BC0] =	vst v63  }
0x210: {  	_ =	swait.ge [sflag:s6], $0x3E80  }
0x211: {  	[sflag:s6] =	ssyncset.done $0x0  }
0x212: {  	[sflag:s6] =	ssyncadd.s32 $0xFFFFC180  }
0x213: {  	[tilespmem:s11], [sflag:$0x1] =	stream.indirect.gather [hbm4b:s3+s7], $0x20, s25, s7, $0xb8;
	[tilespmem:$0x11BC0] =	vst v63  }
0x214: {  	_ =	swait.ge [sflag:s8], $0x3E80  }
0x215: {  	[sflag:s8] =	ssyncset.done $0x0  }
0x216: {  	[sflag:s8] =	ssyncadd.s32 $0xFFFFC180  }
0x217: {  	[spmem:s2] =	stream.indirect.scatter.add.f32 [tilespmem:s9], [sflag:$0x3], $0x20, s24, s7, $0xb8;
	[tilespmem:$0x11BC0] =	vst v63  }
0x218: {  	_ =	swait.ge [sflag:s6], $0x3E80  }
0x219: {  	[sflag:s6] =	ssyncset.done $0x0  }
0x21a: {  	[sflag:s6] =	ssyncadd.s32 $0xFFFFC180  }
0x21b: {  	[tilespmem:s9], [sflag:$0x2] =	stream.indirect.gather [hbm4b:s3+s7], $0x20, s23, s7, $0xb8;
	[tilespmem:$0x11BC0] =	vst v63  }
0x21c: {  	_ =	swait.ge [sflag:s10], $0x3E80  }
0x21d: {  	[sflag:s10] =	ssyncset.done $0x0  }
0x21e: {  	[sflag:s10] =	ssyncadd.s32 $0xFFFFC180  }
0x21f: {  	[spmem:s2] =	stream.indirect.scatter.add.f32 [tilespmem:s11], [sflag:$0x3], $0x20, s22, s7, $0xb8;
	[tilespmem:$0x11BC0] =	vst v63  }
0x220: {  	_ =	swait.ge [sflag:s6], $0x3E80  }
0x221: {  	[sflag:s6] =	ssyncset.done $0x0  }
0x222: {  	[sflag:s6] =	ssyncadd.s32 $0xFFFFC180  }
0x223: {  	[tilespmem:s11], [sflag:$0x1] =	stream.indirect.gather [hbm4b:s3+s7], $0x20, s21, s7, $0xb8;
	[tilespmem:$0x11BC0] =	vst v63  }
0x224: {  	_ =	swait.ge [sflag:s8], $0x3E80  }
0x225: {  	[sflag:s8] =	ssyncset.done $0x0  }
0x226: {  	[sflag:s8] =	ssyncadd.s32 $0xFFFFC180  }
0x227: {  	[spmem:s2] =	stream.indirect.scatter.add.f32 [tilespmem:s9], [sflag:$0x3], $0x20, s20, s7, $0xb8;
	[tilespmem:$0x11BC0] =	vst v63  }
0x228: {  	_ =	swait.ge [sflag:s6], $0x3E80  }
0x229: {  	[sflag:s6] =	ssyncset.done $0x0  }
0x22a: {  	[sflag:s6] =	ssyncadd.s32 $0xFFFFC180  }
0x22b: {  	[tilespmem:s9], [sflag:$0x2] =	stream.indirect.gather [hbm4b:s3+s7], $0x20, s18, s7, $0xb8;
	[tilespmem:$0x11BC0] =	vst v63  }
0x22c: {  	_ =	swait.ge [sflag:s10], $0x3E80  }
0x22d: {  	[sflag:s10] =	ssyncset.done $0x0  }
0x22e: {  	[sflag:s10] =	ssyncadd.s32 $0xFFFFC180  }
0x22f: {  	[spmem:s2] =	stream.indirect.scatter.add.f32 [tilespmem:s11], [sflag:$0x3], $0x20, s19, s7, $0xb8;
	[tilespmem:$0x11BC0] =	vst v63  }
0x230: {  	_ =	swait.ge [sflag:s6], $0x3E80  }
0x231: {  	[sflag:s6] =	ssyncset.done $0x0  }
0x232: {  	[sflag:s6] =	ssyncadd.s32 $0xFFFFC180  }
0x233: {  	[tilespmem:s11], [sflag:$0x1] =	stream.indirect.gather [hbm4b:s3+s7], $0x20, s17, s7, $0xb8;
	[tilespmem:$0x11BC0] =	vst v63  }
0x234: {  	_ =	swait.ge [sflag:s8], $0x3E80  }
0x235: {  	[sflag:s8] =	ssyncset.done $0x0  }
0x236: {  	[sflag:s8] =	ssyncadd.s32 $0xFFFFC180  }
0x237: {  	[spmem:s2] =	stream.indirect.scatter.add.f32 [tilespmem:s9], [sflag:$0x3], $0x20, s16, s7, $0xb8;
	[tilespmem:$0x11BC0] =	vst v63  }
0x238: {  	_ =	swait.ge [sflag:s6], $0x3E80  }
0x239: {  	[sflag:s6] =	ssyncset.done $0x0  }
0x23a: {  	[sflag:s6] =	ssyncadd.s32 $0xFFFFC180  }
0x23b: {  	[tilespmem:s9], [sflag:$0x2] =	stream.indirect.gather [hbm4b:s3+s7], $0x20, s13, s7, $0xb8;
	[tilespmem:$0x11BC0] =	vst v63  }
0x23c: {  	_ =	swait.ge [sflag:s10], $0x3E80  }
0x23d: {  	[sflag:s10] =	ssyncset.done $0x0  }
0x23e: {  	[sflag:s10] =	ssyncadd.s32 $0xFFFFC180  }
0x23f: {  	[spmem:s2] =	stream.indirect.scatter.add.f32 [tilespmem:s11], [sflag:$0x3], $0x20, s15, s7, $0xb8;
	[tilespmem:$0x11BC0] =	vst v63  }
0x240: {  	_ =	swait.ge [sflag:s6], $0x3E80  }
0x241: {  	[sflag:s6] =	ssyncset.done $0x0  }
0x242: {  	[sflag:s6] =	ssyncadd.s32 $0xFFFFC180  }
0x243: {  	[tilespmem:s11], [sflag:$0x1] =	stream.indirect.gather [hbm4b:s3+s7], $0x20, s13, s7, $0xb8;
	[tilespmem:$0x11BC0] =	vst v63  }
0x244: {  	_ =	swait.ge [sflag:s8], $0x3E80  }
0x245: {  	[sflag:s8] =	ssyncset.done $0x0  }
0x246: {  	[sflag:s8] =	ssyncadd.s32 $0xFFFFC180  }
0x247: {  	[spmem:s2] =	stream.indirect.scatter.add.f32 [tilespmem:s9], [sflag:$0x3], $0x20, s14, s7, $0xb8;
	[tilespmem:$0x11BC0] =	vst v63  }
0x248: {  	_ =	swait.ge [sflag:s6], $0x3E80  }
0x249: {  	[sflag:s6] =	ssyncset.done $0x0  }
0x24a: {  	[sflag:s6] =	ssyncadd.s32 $0xFFFFC180  }
0x24b: {  	[tilespmem:s9], [sflag:$0x2] =	stream.indirect.gather [hbm4b:s3+s7], $0x20, s13, s7, $0xb8;
	[tilespmem:$0x11BC0] =	vst v63  }
0x24c: {  	_ =	swait.ge [sflag:s10], $0x3E80  }
0x24d: {  	[sflag:s10] =	ssyncset.done $0x0  }
0x24e: {  	[sflag:s10] =	ssyncadd.s32 $0xFFFFC180  }
0x24f: {  	_ =	swait.ge [sflag:s8], $0x3E80  }
0x250: {  	[sflag:s8] =	ssyncset.done $0x0  }
0x251: {  	[sflag:s8] =	ssyncadd.s32 $0xFFFFC180  }
0x252: {  	[bflag:$0x0] =	sbarrier.arrive $0xFFFF  }
0x253: {  	[hbm:s12], [sflag:s4] =	dma.local [spmem:s5], $0xA00  }
0x254: {  	_ =	swait.ge [sflag:s6], $0xA00  }
0x255: {  	[sflag:s6] =	ssyncset.done $0x0  }
0x256: {  	[sflag:s6] =	ssyncadd.s32 $0xFFFFF600  }
0x257: {  	_ =	sfence.sel $0x180000  }
0x258: {  	[bflag:$0x0] =	sbarrier.arrive $0xFFFF  }
0x259: {  	_ =	strace $0x9000004D  }
0x25a: {  	s31 =	stileid.u32;
	[bflag:$0x2] =	sbarrier.arrive $0xFFFF  }
0x25b: {  	p0 =	sne.s32 s31, $0x0;
	s0 =	rddreg [dreg:$0x3]  }
0x25c: {  	s0 =	sadd.s32 @!p0 $0x100000, s0  }
0x25d: {  	[sflag:s0] =	ssyncadd.tile.s32 @!p0 $0x1;
	_ =	shalt  }
.Lfunc_end2:
_tile_overlayer_lowered:
.L_overlay_start_2:
0x25e: {  	(tag) =	ssettag $0x2  }
0x25f: {  	s0 =	rddreg [dreg:$0x0];
	s2 =	stileid.u32  }
0x260: {  	s1 =	rddreg [dreg:$0x1];
	p0 =	sne.s32 s2, $0x0  }
0x261: {  	s3 =	rddreg [dreg:$0x2];
	[bflag:$0x3] =	sbarrier.arrive $0xFFFF;
	s2 =	simm.s32 @!p0 $0x1C03  }
0x262: {  	[timem:s3], [sflag:s2] =	dma.local @!p0 [hbm:s0], s1  }
0x263: {  	s0 =	simm.s32 @!p0 $0x3  }
0x264: {  	_ =	swait.ge @!p0 [sflag:s0], s1  }
0x265: {  	s1 =	ssub.s32 @!p0 $0x0, s1;
	[sflag:s0] =	ssyncset.done @!p0 $0x0  }
0x266: {  	[sflag:s0] =	ssyncadd.s32 @!p0 s1  }
0x267: {  	[bflag:$0x3] =	sbarrier.arrive $0xFFFF  }
0x268: {  	_ =	shalt  }

// kernel: kernel.8.cloned.1.call-start
scs
__scs_entry_jumppad:
0x0: {  	(pc) =	sbr.rel $0x88, $3  }
0x1: {  	(tag) =	ssettag $0x0;
	lr =	simm.s32 $0x1  }
0x2: {  	[smem:$0x3F9B] =	sst lr;
	_ =	strace $0xD0000000  }
0x3: {  	_ = 	snop  }
0x4: {  	_ = 	snop  }
0x5: {  	_ = 	snop  }
0x6: {  	_ = 	snop  }
0x7: {  	_ = 	snop  }
__scs_overlays_trampoline_lowered:
0x8: {  	[smem:$0x3FAA] =	sst s0  }
0x9: {  	[smem:$0x3FAB] =	sst s1  }
0xa: {  	[smem:$0x3FAC] =	sst s2  }
0xb: {  	[smem:$0x3FAD] =	sst s3  }
0xc: {  	[smem:$0x3FAE] =	sst s4  }
0xd: {  	[smem:$0x3FAF] =	sst s5  }
0xe: {  	[smem:$0x3FB0] =	sst s6  }
0xf: {  	[smem:$0x3FB1] =	sst s7  }
0x10: {  	[smem:$0x3FB2] =	sst s8  }
0x11: {  	[smem:$0x3FB3] =	sst s9;
	s0 =	simm.s32 @!p0 $0x0  }
0x12: {  	s1 =	sld [smem:$0x3F99];
	s0 =	simm.s32 @p0 $0x1  }
0x13: {  	[smem:$0x3FB4] =	sst s0;
	s0 =	simm.s32 @!p1 $0x0  }
0x14: {  	s2 =	sld [smem:$0x3F98];
	s0 =	simm.s32 @p1 $0x1  }
0x15: {  	[smem:$0x3FB5] =	sst s0;
	s0 =	simm.s32 @!p2 $0x0  }
0x16: {  	s3 =	sld [smem:$0x3FDB];
	s0 =	simm.s32 @p2 $0x1  }
0x17: {  	s4 =	simm.s32 $0x1BF5;
	[smem:$0x3FB7] =	sst s0  }
0x18: {  	s0 =	sld [smem:$0x3F9A];
	_ =	swait.ge [sflag:s4], $0x0  }
0x19: {  	s7 =	sld [smem:$0x3F9B]  }
0x1a: {  	s8 =	sadd.s32 $0xFFFFE003, lr  }
0x1b: {  	s9 =	sadd.s32 $0xFFFFFEF7, lr;
	s5 =	simm.s32 $0xFFFFFFFF;
	p2 =	slt.u32 s8, $0xFFFFF086  }
0x1c: {  	p1 =	slt.u32 s9, $0xF7A;
	s5 =	simm.s32 @!p2 $0x0  }
0x1d: {  	s5 =	simm.s32 @p1 $0x1;
	p0 =	seq.s32 s7, s2  }
0x1e: {  	s7 =	smul.u32 @!p0 $0xF7A, s2;
	p2 =	seq.s32 @!p0 s5, $0x0  }
0x1f: {  	s9 =	smul.u32 $0xF7A, s1;
	s8 =	simm.s32 @!p0 $0x1BF5;
	p2 =	por !p2, p0  }
0x20: {  	[sflag:s8] =	ssyncset.s32 @!p0 $0xFFFFF086;
	s6 =	sadd.s32 @!p0 s3, s7;
	s7 =	simm.s32 @!p0 $0x108  }
0x21: {  	s3 =	sadd.s32 s3, s9;
	s6 =	sadd.s32 @!p0 $0x88, s6;
	s7 =	simm.s32 @p2 $0x1082  }
0x22: {  	[simem:s7], [sflag:s8] =	dma.local @!p0 [hbm:s6], $0xF7A  }
0x23: {  	s9 =	sor.u32 $0xD0000000, s2;
	s6 =	simm.s32 $0x108;
	_ =	swait.ge @!p0 [sflag:s8], $0x0  }
0x24: {  	s3 =	sadd.s32 $0x88, s3;
	s6 =	simm.s32 @!p1 $0x1082;
	[sflag:s4] =	ssyncset.s32 $0xFFFFF086  }
0x25: {  	[simem:s6], [sflag:s4] =	dma.local [hbm:s3], $0xF7A  }
0x26: {  	[smem:$0x3F9B] =	sst s1;
	(tag) =	ssettag s2;
	_ =	strace s9  }
0x27: {  	s1 =	sld [smem:$0x3FAB]  }
0x28: {  	s2 =	sld [smem:$0x3FAC]  }
0x29: {  	s4 =	sld [smem:$0x3FAE]  }
0x2a: {  	p0 =	seq.s32 s5, $0x0;
	s5 =	sld [smem:$0x3FAF]  }
0x2b: {  	s6 =	sld [smem:$0x3FB0]  }
0x2c: {  	s7 =	sld [smem:$0x3FB1]  }
0x2d: {  	s3 =	simm.s32 $0x108;
	s8 =	sld [smem:$0x3FB2]  }
0x2e: {  	s3 =	simm.s32 @!p0 $0x1082;
	s9 =	sld [smem:$0x3FB3]  }
0x2f: {  	lr =	sadd.s32 s0, s3;
	s0 =	sld [smem:$0x3FAA]  }
0x30: {  	s3 =	sld [smem:$0x3FAD]  }
0x31: {  	[smem:$0x3FB6] =	sst s10  }
0x32: {  	s10 =	sld [smem:$0x3FB4];
	_ =	sdelay $0x3  }
0x33: {  	p0 =	seq.s32 s10, $0x1;
	s10 =	sld [smem:$0x3FB6];
	_ =	sdelay $0x3  }
0x34: {  	[smem:$0x3FB6] =	sst s10  }
0x35: {  	s10 =	sld [smem:$0x3FB5];
	_ =	sdelay $0x3  }
0x36: {  	p1 =	seq.s32 s10, $0x1;
	s10 =	sld [smem:$0x3FB6];
	_ =	sdelay $0x3  }
0x37: {  	[smem:$0x3FB6] =	sst s10  }
0x38: {  	s10 =	sld [smem:$0x3FB7]  }
0x39: {  	_ = 	snop;
	(pc) =	sbr.ind lr, $3  }
0x3a: {  	_ = 	snop  }
0x3b: {  	_ = 	snop  }
0x3c: {  	p2 =	seq.s32 s10, $0x1;
	s10 =	sld [smem:$0x3FB6]  }
0x3d: {  	_ =	shalt  }
0x3e: {  	_ =	shalt  }
0x3f: {  	_ =	shalt  }
0x40: {  	_ =	shalt  }
0x41: {  	_ =	shalt  }
0x42: {  	_ =	shalt  }
0x43: {  	_ =	shalt  }
0x44: {  	_ =	shalt  }
0x45: {  	_ =	shalt  }
0x46: {  	_ =	shalt  }
0x47: {  	_ =	shalt  }
0x48: {  	_ =	shalt  }
0x49: {  	_ =	shalt  }
0x4a: {  	_ =	shalt  }
0x4b: {  	_ =	shalt  }
0x4c: {  	_ =	shalt  }
0x4d: {  	_ =	shalt  }
0x4e: {  	_ =	shalt  }
0x4f: {  	_ =	shalt  }
0x50: {  	_ =	shalt  }
0x51: {  	_ =	shalt  }
0x52: {  	_ =	shalt  }
0x53: {  	_ =	shalt  }
0x54: {  	_ =	shalt  }
0x55: {  	_ =	shalt  }
0x56: {  	_ =	shalt  }
0x57: {  	_ =	shalt  }
0x58: {  	_ =	shalt  }
0x59: {  	_ =	shalt  }
0x5a: {  	_ =	shalt  }
0x5b: {  	_ =	shalt  }
0x5c: {  	_ =	shalt  }
0x5d: {  	_ =	shalt  }
0x5e: {  	_ =	shalt  }
0x5f: {  	_ =	shalt  }
0x60: {  	_ =	shalt  }
0x61: {  	_ =	shalt  }
0x62: {  	_ =	shalt  }
0x63: {  	_ =	shalt  }
0x64: {  	_ =	shalt  }
0x65: {  	_ =	shalt  }
0x66: {  	_ =	shalt  }
0x67: {  	_ =	shalt  }
0x68: {  	_ =	shalt  }
0x69: {  	_ =	shalt  }
0x6a: {  	_ =	shalt  }
0x6b: {  	_ =	shalt  }
0x6c: {  	_ =	shalt  }
0x6d: {  	_ =	shalt  }
0x6e: {  	_ =	shalt  }
0x6f: {  	_ =	shalt  }
0x70: {  	_ =	shalt  }
0x71: {  	_ =	shalt  }
0x72: {  	_ =	shalt  }
0x73: {  	_ =	shalt  }
0x74: {  	_ =	shalt  }
0x75: {  	_ =	shalt  }
0x76: {  	_ =	shalt  }
0x77: {  	_ =	shalt  }
0x78: {  	_ =	shalt  }
0x79: {  	_ =	shalt  }
0x7a: {  	_ =	shalt  }
0x7b: {  	_ =	shalt  }
0x7c: {  	_ =	shalt  }
0x7d: {  	_ =	shalt  }
0x7e: {  	_ =	shalt  }
0x7f: {  	_ =	shalt  }
0x80: {  	_ =	shalt  }
0x81: {  	_ =	shalt  }
0x82: {  	_ =	shalt  }
0x83: {  	_ =	shalt  }
0x84: {  	_ =	shalt  }
0x85: {  	_ =	shalt  }
0x86: {  	_ =	shalt  }
0x87: {  	_ =	shalt  }
.Lfunc_end0:
.L_simem_size_0:
called_computation_lowered:
.L_overlay_start_0:
0x88: {  	s2 =	sld [smem:$0x3FD9]  }
0x89: {  	s3 =	sld [smem:$0x3FFE];
	_ =	sdelay $0x1  }
0x8a: {  	s1 =	srdreg.scid  }
0x8b: {  	s0 =	sand.u32 $0x1, s1  }
0x8c: {  	s17 =	sshll.u32 s0, $0xA;
	s2 =	sadd.s32 s3, s2  }
0x8d: {  	s2 =	sadd.s32 s2, s17  }
0x8e: {  	[smem:$0x3FC2] =	sst s2  }
0x8f: {  	_ = 	snop  }
0x90: {  	s2 =	sld [smem:$0x3FD0];
	(tm) =	ssettm $0x1  }
0x91: {  	s18 =	sld [smem:$0x3FFB];
	_ =	sdelay $0x3  }
0x92: {  	_ =	strace s18  }
0x93: {  	s3 =	sld [smem:$0x3FFC];
	_ =	sdelay $0x3  }
0x94: {  	_ =	strace s3  }
0x95: {  	s3 =	sld [smem:$0x3FFD];
	_ =	sdelay $0x3  }
0x96: {  	_ =	strace s3  }
0x97: {  	_ =	strace $0x8FFFFFFF  }
0x98: {  	s19 =	sld [smem:$0x3FDB];
	_ =	sdelay $0x1  }
0x99: {  	s4 =	simm.s32 $_scs_section_size  }
0x9a: {  	s5 =	simm.s32 $_size__tile_overlayer_lowered;
	s6 =	simm.s32 $_tile_overlayer_lowered  }
0x9b: {  	s22 =	simm.s32 $0x1BFF;
	s21 =	sshll.u32 s6, $0x1;
	s3 =	sadd.s32 s4, s19  }
0x9c: {  	s7 =	simm.s32 $0x0;
	s20 =	sshll.u32 s5, $0x1;
	s5 =	sadd.s32 s21, s3  }
0x9d: {  	[timem:s7], [sflag:s22] =	dma.local [hbm:s5], s20  }
0x9e: {  	_ =	swait.ge [sflag:s22], s20  }
0x9f: {  	s4 =	ssub.s32 $0x0, s20;
	[sflag:s22] =	ssyncset.done $0x0  }
0xa0: {  	[sflag:s22] =	ssyncadd.s32 s4;
	_ =	sdelay $0x1  }
0xa1: {  	s23 =	simm.s32 $0x1B8B  }
0xa2: {  	_ =	swait.ge [sflag:s23], $0x1  }
0xa3: {  	[sflag:s23] =	ssyncset.done $0x0  }
0xa4: {  	s25 =	simm.s32 $0x1B8E;
	s24 =	sld [smem:$0x3FFE];
	[sflag:s23] =	ssyncadd.s32 $0xFFFFFFFF  }
0xa5: {  	s26 =	simm.s32 $execute0_lowered;
	[smem:$0x3FD2] =	sst s25  }
0xa6: {  	s5 =	sshll.u32 s26, $0x1;
	_ =	strace $0x80000046;
	[dreg:$0x1] =	wrdreg $0xFFFFFFFF  }
0xa7: {  	s28 =	simm.s32 $_size_execute0_lowered;
	s3 =	sadd.s32 s3, s5;
	[dreg:$0x0] =	wrdreg $0x0  }
0xa8: {  	s5 =	sshll.u32 s28, $0x1;
	[dreg:$0x2] =	wrdreg s3  }
0xa9: {  	[dreg:$0x3] =	wrdreg s5  }
0xaa: {  	[dreg:$0x4] =	wrdreg $0xC0  }
0xab: {  	_ =	task [dreg:s7], $0x5FFFF  }
0xac: {  	[dreg:$0x1] =	wrdreg $0xFFFFFFFF  }
0xad: {  	[dreg:$0x0] =	wrdreg $0x60  }
0xae: {  	[dreg:$0x2] =	wrdreg s2  }
0xaf: {  	[dreg:$0x3] =	wrdreg s24  }
0xb0: {  	[dreg:$0x4] =	wrdreg $0x29600  }
0xb1: {  	[dreg:$0x5] =	wrdreg $0x9  }
0xb2: {  	_ =	task.clear_ibuf [dreg:s7], $0x6FFFF;
	_ =	strace $0x90000046  }
0xb3: {  	s29 =	simm.s32 $0x9;
	_ =	strace $0x80000048  }
0xb4: {  	_ =	swait.ge [sflag:s29], $0x1  }
0xb5: {  	[sflag:s29] =	ssyncadd.s32 $0xFFFFFFFF  }
0xb6: {  	_ =	strace $0x90000048  }
0xb7: {  	_ =	sfence  }
0xb8: {  	s30 =	sld [smem:$0x0];
	_ =	sdelay $0x2  }
0xb9: {  	s31 =	sshll.u32 s1, $0xD;
	s1 =	sshrl.u32 s1, $0x2  }
0xba: {  	s3 =	sand.u32 $0x4000, s31;
	s1 =	sadd.s32 s1, s30  }
0xbb: {  	s0 =	sor.u32 s3, s0;
	s1 =	sshll.u32 s1, $0x11  }
0xbc: {  	s0 =	sor.u32 s1, s0  }
0xbd: {  	s0 =	sadd.s32 $0x8F2B, s0  }
0xbe: {  	[sflag:s0] =	ssyncadd.remote.s32 $0x1  }
0xbf: {  	_ =	sfence.sel $0xFFFF  }
0xc0: {  	[dreg:$0x0] =	wrdreg $0xFFFFFFFF;
	(pc) =	sbr.abs _section_cstart, $3  }
0xc1: {  	[dreg:$0x1] =	wrdreg $0xFFFFFFFF  }
0xc2: {  	_ =	task.clear_ibuf [dreg:s7], $0x2FFFF;
	_ =	strace $0x9FFFFFFF  }
0xc3: {  	(tm) =	ssettm $0x7FFFFFFF  }
tec
execute0_lowered:
.L_overlay_start_1:
0x0: {  	(tag) =	ssettag $0x1  }
0x1: {  	s5 =	rddreg [dreg:$0x0]  }
0x2: {  	s25 =	rddreg [dreg:$0x1]  }
0x3: {  	s1 =	rddreg [dreg:$0x2];
	s2 =	simm.s32 $0x0  }
0x4: {  	v0 =	vimm.f32 $1.000000000e+00;
	[smem:$0x7FF] =	sst s2  }
0x5: {  	s0 =	rddreg [dreg:$0x3];
	_ =	strace $0x80000047;
	[tilespmem:$0x2780] =	vst v0  }
0x6: {  	[tilespmem:$0x2790] =	vst v0  }
0x7: {  	[tilespmem:$0x27A0] =	vst v0  }
0x8: {  	[tilespmem:$0x27B0] =	vst v0  }
0x9: {  	[tilespmem:$0x27C0] =	vst v0  }
0xa: {  	[tilespmem:$0x27D0] =	vst v0  }
0xb: {  	[tilespmem:$0x27E0] =	vst v0  }
0xc: {  	[tilespmem:$0x27F0] =	vst v0  }
0xd: {  	[tilespmem:$0x2800] =	vst v0  }
0xe: {  	[tilespmem:$0x2810] =	vst v0  }
0xf: {  	[tilespmem:$0x2820] =	vst v0  }
0x10: {  	[tilespmem:$0x2830] =	vst v0  }
0x11: {  	[tilespmem:$0x2840] =	vst v0  }
0x12: {  	[tilespmem:$0x2850] =	vst v0  }
0x13: {  	[tilespmem:$0x2860] =	vst v0  }
0x14: {  	[tilespmem:$0x2760] =	vst v0  }
0x15: {  	[tilespmem:$0x2950] =	vst v0  }
0x16: {  	[tilespmem:$0x2940] =	vst v0  }
0x17: {  	[tilespmem:$0x2930] =	vst v0  }
0x18: {  	[tilespmem:$0x2920] =	vst v0  }
0x19: {  	[tilespmem:$0x2910] =	vst v0  }
0x1a: {  	[tilespmem:$0x2900] =	vst v0  }
0x1b: {  	[tilespmem:$0x28F0] =	vst v0  }
0x1c: {  	[tilespmem:$0x28E0] =	vst v0  }
0x1d: {  	[tilespmem:$0x28D0] =	vst v0  }
0x1e: {  	s3 =	srdreg.scid;
	[tilespmem:$0x28C0] =	vst v0  }
0x1f: {  	s24 =	sand.u32 $0x1, s3;
	[tilespmem:$0x28B0] =	vst v0  }
0x20: {  	s3 =	stileid.u32;
	s4 =	sshll.u32 s24, $0x4;
	[tilespmem:$0x28A0] =	vst v0  }
0x21: {  	s6 =	smul.u32 $0xA00, s3;
	[tilespmem:$0x2890] =	vst v0;
	s4 =	sor.u32 s3, s4  }
0x22: {  	s20 =	simm.s32 $0x1F8;
	[tilespmem:$0x2880] =	vst v0;
	s7 =	smul.u32 $0x4EC, s4  }
0x23: {  	[tilespmem:$0x2870] =	vst v0;
	[dreg:$0x9] =	wrdreg s20;
	s15 =	sshrl.u32 s6, $0x2  }
0x24: {  	[tilespmem:$0x2770] =	vst v0;
	s6 =	simm.s32 $0x2760;
	s4 =	sadd.s32 s15, s1;
	s5 =	sadd.s32 s5, s7  }
0x25: {  	[spmem:s4] =	stream.linear.scatter [tilespmem:s6], [sflag:$0x1], $0x80, $0x38;
	[tilespmem:$0x2BE0] =	vst v63  }
0x26: {  	s16 =	sadd.s32 $0x80, s4;
	[dreg:$0x4] =	wrdreg s5  }
0x27: {  	s17 =	sadd.s32 $0x100, s4;
	[dreg:$0x5] =	wrdreg s16  }
0x28: {  	s18 =	sadd.s32 $0x180, s4;
	[dreg:$0x6] =	wrdreg s17  }
0x29: {  	s19 =	sadd.s32 $0x200, s4;
	[dreg:$0x7] =	wrdreg s18  }
0x2a: {  	[dreg:$0x8] =	wrdreg s19;
	s5 =	simm.s32 $0x1  }
0x2b: {  	_ =	swait.ge [sflag:s5], $0x80  }
0x2c: {  	[sflag:s5] =	ssyncset.done $0x0  }
0x2d: {  	s21 =	rddreg [dreg:$0x5];
	[sflag:s5] =	ssyncadd.s32 $0xFFFFFF80  }
0x2e: {  	[spmem:s21] =	stream.linear.scatter [tilespmem:s6], [sflag:$0x1], $0x80, $0x38;
	[tilespmem:$0x2BE0] =	vst v63  }
0x2f: {  	_ =	swait.ge [sflag:s5], $0x80  }
0x30: {  	[sflag:s5] =	ssyncset.done $0x0  }
0x31: {  	s22 =	rddreg [dreg:$0x6];
	[sflag:s5] =	ssyncadd.s32 $0xFFFFFF80  }
0x32: {  	[spmem:s22] =	stream.linear.scatter [tilespmem:s6], [sflag:$0x1], $0x80, $0x38;
	[tilespmem:$0x2BE0] =	vst v63  }
0x33: {  	_ =	swait.ge [sflag:s5], $0x80  }
0x34: {  	[sflag:s5] =	ssyncset.done $0x0  }
0x35: {  	s23 =	rddreg [dreg:$0x7];
	[sflag:s5] =	ssyncadd.s32 $0xFFFFFF80  }
0x36: {  	[spmem:s23] =	stream.linear.scatter [tilespmem:s6], [sflag:$0x1], $0x80, $0x38;
	[tilespmem:$0x2BE0] =	vst v63  }
0x37: {  	_ =	swait.ge [sflag:s5], $0x80  }
0x38: {  	[sflag:s5] =	ssyncset.done $0x0  }
0x39: {  	s26 =	rddreg [dreg:$0x8];
	[sflag:s5] =	ssyncadd.s32 $0xFFFFFF80  }
0x3a: {  	[spmem:s26] =	stream.linear.scatter [tilespmem:s6], [sflag:$0x1], $0x80, $0x38;
	[tilespmem:$0x2BE0] =	vst v63  }
0x3b: {  	_ =	swait.ge [sflag:s5], $0x80  }
0x3c: {  	[sflag:s5] =	ssyncset.done $0x0  }
0x3d: {  	s31 =	rddreg [dreg:$0x4];
	[sflag:s5] =	ssyncadd.s32 $0xFFFFFF80  }
0x3e: {  	[tilespmem:s2], [sflag:$0x1] =	stream.linear.gather [hbm4b:s31+s2], $0x2760, $0x38;
	[tilespmem:$0x2BE0] =	vst v63  }
0x3f: {  	_ =	swait.ge [sflag:s5], $0x2760  }
0x40: {  	[sflag:s5] =	ssyncset.done $0x0  }
0x41: {  	[sflag:s5] =	ssyncadd.s32 $0xFFFFD8A0  }
0x42: {  	s7 =	simm.s32 $0x1F4;
	[bflag:$0x0] =	sbarrier.arrive $0xFFFF  }
0x43: {  	[spmem:s1] =	stream.indirect.scatter.add.f32 [tilespmem:s6], [sflag:$0x1], $0x1, s2, s7, $0xb8;
	[tilespmem:$0x2BE0] =	vst v63  }
0x44: {  	_ =	swait.ge [sflag:s5], $0x1F4  }
0x45: {  	[sflag:s5] =	ssyncset.done $0x0  }
0x46: {  	s8 =	rddreg [dreg:$0x9];
	[sflag:s5] =	ssyncadd.s32 $0xFFFFFE0C  }
0x47: {  	[spmem:s1] =	stream.indirect.scatter.add.f32 [tilespmem:s6], [sflag:$0x1], $0x1, s8, s7, $0xb8;
	[tilespmem:$0x2BE0] =	vst v63  }
0x48: {  	_ =	swait.ge [sflag:s5], $0x1F4  }
0x49: {  	[sflag:s5] =	ssyncset.done $0x0  }
0x4a: {  	s8 =	simm.s32 $0x3F0;
	[sflag:s5] =	ssyncadd.s32 $0xFFFFFE0C  }
0x4b: {  	[spmem:s1] =	stream.indirect.scatter.add.f32 [tilespmem:s6], [sflag:$0x1], $0x1, s8, s7, $0xb8;
	[tilespmem:$0x2BE0] =	vst v63  }
0x4c: {  	_ =	swait.ge [sflag:s5], $0x1F4  }
0x4d: {  	[sflag:s5] =	ssyncset.done $0x0  }
0x4e: {  	s9 =	simm.s32 $0x5E8;
	[sflag:s5] =	ssyncadd.s32 $0xFFFFFE0C  }
0x4f: {  	[spmem:s1] =	stream.indirect.scatter.add.f32 [tilespmem:s6], [sflag:$0x1], $0x1, s9, s7, $0xb8;
	[tilespmem:$0x2BE0] =	vst v63  }
0x50: {  	_ =	swait.ge [sflag:s5], $0x1F4  }
0x51: {  	[sflag:s5] =	ssyncset.done $0x0  }
0x52: {  	s10 =	simm.s32 $0x7E0;
	[sflag:s5] =	ssyncadd.s32 $0xFFFFFE0C  }
0x53: {  	[spmem:s1] =	stream.indirect.scatter.add.f32 [tilespmem:s6], [sflag:$0x1], $0x1, s10, s7, $0xb8;
	[tilespmem:$0x2BE0] =	vst v63  }
0x54: {  	_ =	swait.ge [sflag:s5], $0x1F4  }
0x55: {  	[sflag:s5] =	ssyncset.done $0x0  }
0x56: {  	s11 =	simm.s32 $0x9D8;
	[sflag:s5] =	ssyncadd.s32 $0xFFFFFE0C  }
0x57: {  	[spmem:s1] =	stream.indirect.scatter.add.f32 [tilespmem:s6], [sflag:$0x1], $0x1, s11, s7, $0xb8;
	[tilespmem:$0x2BE0] =	vst v63  }
0x58: {  	_ =	swait.ge [sflag:s5], $0x1F4  }
0x59: {  	[sflag:s5] =	ssyncset.done $0x0  }
0x5a: {  	s12 =	simm.s32 $0xBD0;
	[sflag:s5] =	ssyncadd.s32 $0xFFFFFE0C  }
0x5b: {  	[spmem:s1] =	stream.indirect.scatter.add.f32 [tilespmem:s6], [sflag:$0x1], $0x1, s12, s7, $0xb8;
	[tilespmem:$0x2BE0] =	vst v63  }
0x5c: {  	_ =	swait.ge [sflag:s5], $0x1F4  }
0x5d: {  	[sflag:s5] =	ssyncset.done $0x0  }
0x5e: {  	s13 =	simm.s32 $0xDC8;
	[sflag:s5] =	ssyncadd.s32 $0xFFFFFE0C  }
0x5f: {  	[spmem:s1] =	stream.indirect.scatter.add.f32 [tilespmem:s6], [sflag:$0x1], $0x1, s13, s7, $0xb8;
	[tilespmem:$0x2BE0] =	vst v63  }
0x60: {  	_ =	swait.ge [sflag:s5], $0x1F4  }
0x61: {  	[sflag:s5] =	ssyncset.done $0x0  }
0x62: {  	s14 =	simm.s32 $0xFC0;
	[sflag:s5] =	ssyncadd.s32 $0xFFFFFE0C  }
0x63: {  	[spmem:s1] =	stream.indirect.scatter.add.f32 [tilespmem:s6], [sflag:$0x1], $0x1, s14, s7, $0xb8;
	[tilespmem:$0x2BE0] =	vst v63  }
0x64: {  	_ =	swait.ge [sflag:s5], $0x1F4  }
0x65: {  	[sflag:s5] =	ssyncset.done $0x0  }
0x66: {  	s15 =	simm.s32 $0x11B8;
	[sflag:s5] =	ssyncadd.s32 $0xFFFFFE0C  }
0x67: {  	[spmem:s1] =	stream.indirect.scatter.add.f32 [tilespmem:s6], [sflag:$0x1], $0x1, s15, s7, $0xb8;
	[tilespmem:$0x2BE0] =	vst v63  }
0x68: {  	_ =	swait.ge [sflag:s5], $0x1F4  }
0x69: {  	[sflag:s5] =	ssyncset.done $0x0  }
0x6a: {  	s16 =	simm.s32 $0x13B0;
	[sflag:s5] =	ssyncadd.s32 $0xFFFFFE0C  }
0x6b: {  	[spmem:s1] =	stream.indirect.scatter.add.f32 [tilespmem:s6], [sflag:$0x1], $0x1, s16, s7, $0xb8;
	[tilespmem:$0x2BE0] =	vst v63  }
0x6c: {  	_ =	swait.ge [sflag:s5], $0x1F4  }
0x6d: {  	[sflag:s5] =	ssyncset.done $0x0  }
0x6e: {  	s17 =	simm.s32 $0x15A8;
	[sflag:s5] =	ssyncadd.s32 $0xFFFFFE0C  }
0x6f: {  	[spmem:s1] =	stream.indirect.scatter.add.f32 [tilespmem:s6], [sflag:$0x1], $0x1, s17, s7, $0xb8;
	[tilespmem:$0x2BE0] =	vst v63  }
0x70: {  	_ =	swait.ge [sflag:s5], $0x1F4  }
0x71: {  	[sflag:s5] =	ssyncset.done $0x0  }
0x72: {  	s18 =	simm.s32 $0x17A0;
	[sflag:s5] =	ssyncadd.s32 $0xFFFFFE0C  }
0x73: {  	[spmem:s1] =	stream.indirect.scatter.add.f32 [tilespmem:s6], [sflag:$0x1], $0x1, s18, s7, $0xb8;
	[tilespmem:$0x2BE0] =	vst v63  }
0x74: {  	_ =	swait.ge [sflag:s5], $0x1F4  }
0x75: {  	[sflag:s5] =	ssyncset.done $0x0  }
0x76: {  	s19 =	simm.s32 $0x1998;
	[sflag:s5] =	ssyncadd.s32 $0xFFFFFE0C  }
0x77: {  	[spmem:s1] =	stream.indirect.scatter.add.f32 [tilespmem:s6], [sflag:$0x1], $0x1, s19, s7, $0xb8;
	[tilespmem:$0x2BE0] =	vst v63  }
0x78: {  	_ =	swait.ge [sflag:s5], $0x1F4  }
0x79: {  	[sflag:s5] =	ssyncset.done $0x0  }
0x7a: {  	s20 =	simm.s32 $0x1B90;
	[sflag:s5] =	ssyncadd.s32 $0xFFFFFE0C  }
0x7b: {  	[spmem:s1] =	stream.indirect.scatter.add.f32 [tilespmem:s6], [sflag:$0x1], $0x1, s20, s7, $0xb8;
	[tilespmem:$0x2BE0] =	vst v63  }
0x7c: {  	_ =	swait.ge [sflag:s5], $0x1F4  }
0x7d: {  	[sflag:s5] =	ssyncset.done $0x0  }
0x7e: {  	s21 =	simm.s32 $0x1D88;
	[sflag:s5] =	ssyncadd.s32 $0xFFFFFE0C  }
0x7f: {  	[spmem:s1] =	stream.indirect.scatter.add.f32 [tilespmem:s6], [sflag:$0x1], $0x1, s21, s7, $0xb8;
	[tilespmem:$0x2BE0] =	vst v63  }
0x80: {  	_ =	swait.ge [sflag:s5], $0x1F4  }
0x81: {  	[sflag:s5] =	ssyncset.done $0x0  }
0x82: {  	s22 =	simm.s32 $0x1F80;
	[sflag:s5] =	ssyncadd.s32 $0xFFFFFE0C  }
0x83: {  	[spmem:s1] =	stream.indirect.scatter.add.f32 [tilespmem:s6], [sflag:$0x1], $0x1, s22, s7, $0xb8;
	[tilespmem:$0x2BE0] =	vst v63  }
0x84: {  	_ =	swait.ge [sflag:s5], $0x1F4  }
0x85: {  	[sflag:s5] =	ssyncset.done $0x0  }
0x86: {  	s28 =	ssub.s32 $0x2, s24;
	s23 =	simm.s32 $0x2178;
	[sflag:s5] =	ssyncadd.s32 $0xFFFFFE0C  }
0x87: {  	[spmem:s1] =	stream.indirect.scatter.add.f32 [tilespmem:s6], [sflag:$0x1], $0x1, s23, s7, $0xb8;
	[tilespmem:$0x2BE0] =	vst v63  }
0x88: {  	s29 =	sshrl.u32 s28, $0x1;
	_ =	swait.ge [sflag:s5], $0x1F4  }
0x89: {  	s28 =	ssub.s32 s28, s29;
	s29 =	smul.u32 $0x280, s3;
	[sflag:s5] =	ssyncset.done $0x0  }
0x8a: {  	s26 =	smul.u32 $0x500, s24;
	s24 =	simm.s32 $0x2370;
	[sflag:s5] =	ssyncadd.s32 $0xFFFFFE0C  }
0x8b: {  	[spmem:s1] =	stream.indirect.scatter.add.f32 [tilespmem:s6], [sflag:$0x1], $0x1, s24, s7, $0xb8;
	[tilespmem:$0x2BE0] =	vst v63  }
0x8c: {  	_ =	swait.ge [sflag:s5], $0x1F4  }
0x8d: {  	s30 =	sshrl.u32 s29, $0x3;
	s26 =	sadd.s32 s26, s25;
	[sflag:s5] =	ssyncset.done $0x0  }
0x8e: {  	s25 =	simm.s32 $0x2568;
	s26 =	sadd.s32 $0x1600, s26;
	[sflag:s5] =	ssyncadd.s32 $0xFFFFFE0C  }
0x8f: {  	[spmem:s1] =	stream.indirect.scatter.add.f32 [tilespmem:s6], [sflag:$0x1], $0x1, s25, s7, $0xb8;
	[tilespmem:$0x2BE0] =	vst v63  }
0x90: {  	s26 =	sadd.s32 s30, s26;
	s30 =	smax.u32 s28, $0x1;
	_ =	swait.ge [sflag:s5], $0x1F4  }
0x91: {  	s29 =	sadd.s32 s29, s1;
	p0 =	sne.s32 s30, $0x1;
	[sflag:s5] =	ssyncset.done $0x0  }
.Ltmp0:
0x92: {  	s31 =	sshll.u32 s3, $0x6;
	[sflag:s5] =	ssyncadd.s32 $0xFFFFFE0C;
	(pc) =	sbr.rel @!p0 .LBB2_2-.Ltmp0, $4  }
0x93: {  	s28 =	sshrl.u32 s29, $0x3;
	s29 =	sor.u32 $0x1C01, s31;
	[bflag:$0x0] =	sbarrier.arrive $0xFFFF  }
0x94: {  	[hbm:s26], [sflag:s29] =	dma.local [spmem:s28], $0x50  }
0x95: {  	_ =	swait.ge [sflag:s5], $0x50  }
0x96: {  	s30 =	sadd.s32 $0xFFFFFFFF, s30;
	[sflag:s5] =	ssyncset.done $0x0  }
.LBB2_1:
0x97: {  	[sflag:s5] =	ssyncadd.s32 $0xFFFFFFB0  }
0x98: {  	[tilespmem:$0x2780] =	vst v0  }
0x99: {  	[tilespmem:$0x2790] =	vst v0  }
0x9a: {  	[tilespmem:$0x27A0] =	vst v0  }
0x9b: {  	[tilespmem:$0x27B0] =	vst v0  }
0x9c: {  	[tilespmem:$0x27C0] =	vst v0  }
0x9d: {  	[tilespmem:$0x27D0] =	vst v0  }
0x9e: {  	[tilespmem:$0x27E0] =	vst v0  }
0x9f: {  	[tilespmem:$0x27F0] =	vst v0  }
0xa0: {  	[tilespmem:$0x2800] =	vst v0  }
0xa1: {  	[tilespmem:$0x2810] =	vst v0  }
0xa2: {  	[tilespmem:$0x2820] =	vst v0  }
0xa3: {  	[tilespmem:$0x2830] =	vst v0  }
0xa4: {  	[tilespmem:$0x2840] =	vst v0  }
0xa5: {  	[tilespmem:$0x2850] =	vst v0  }
0xa6: {  	[tilespmem:$0x2860] =	vst v0  }
0xa7: {  	[tilespmem:$0x2760] =	vst v0  }
0xa8: {  	[tilespmem:$0x2950] =	vst v0  }
0xa9: {  	[tilespmem:$0x2940] =	vst v0  }
0xaa: {  	[tilespmem:$0x2930] =	vst v0  }
0xab: {  	[tilespmem:$0x2920] =	vst v0  }
0xac: {  	[tilespmem:$0x2910] =	vst v0  }
0xad: {  	[tilespmem:$0x2900] =	vst v0  }
0xae: {  	[tilespmem:$0x28F0] =	vst v0  }
0xaf: {  	[tilespmem:$0x28E0] =	vst v0  }
0xb0: {  	[tilespmem:$0x28D0] =	vst v0  }
0xb1: {  	[tilespmem:$0x28C0] =	vst v0  }
0xb2: {  	[tilespmem:$0x28B0] =	vst v0  }
0xb3: {  	[tilespmem:$0x28A0] =	vst v0  }
0xb4: {  	[tilespmem:$0x2890] =	vst v0  }
0xb5: {  	[tilespmem:$0x2880] =	vst v0  }
0xb6: {  	[tilespmem:$0x2870] =	vst v0  }
0xb7: {  	[tilespmem:$0x2770] =	vst v0  }
0xb8: {  	[spmem:s4] =	stream.linear.scatter [tilespmem:s6], [sflag:$0x1], $0x80, $0x38;
	[tilespmem:$0x2BE0] =	vst v63  }
0xb9: {  	_ =	swait.ge [sflag:s5], $0x80  }
0xba: {  	[sflag:s5] =	ssyncset.done $0x0  }
0xbb: {  	s31 =	rddreg [dreg:$0x5];
	[sflag:s5] =	ssyncadd.s32 $0xFFFFFF80  }
0xbc: {  	[spmem:s31] =	stream.linear.scatter [tilespmem:s6], [sflag:$0x1], $0x80, $0x38;
	[tilespmem:$0x2BE0] =	vst v63  }
0xbd: {  	_ =	swait.ge [sflag:s5], $0x80  }
0xbe: {  	[sflag:s5] =	ssyncset.done $0x0  }
0xbf: {  	s31 =	rddreg [dreg:$0x6];
	[sflag:s5] =	ssyncadd.s32 $0xFFFFFF80  }
0xc0: {  	[spmem:s31] =	stream.linear.scatter [tilespmem:s6], [sflag:$0x1], $0x80, $0x38;
	[tilespmem:$0x2BE0] =	vst v63  }
0xc1: {  	_ =	swait.ge [sflag:s5], $0x80  }
0xc2: {  	[sflag:s5] =	ssyncset.done $0x0  }
0xc3: {  	s31 =	rddreg [dreg:$0x7];
	[sflag:s5] =	ssyncadd.s32 $0xFFFFFF80  }
0xc4: {  	[spmem:s31] =	stream.linear.scatter [tilespmem:s6], [sflag:$0x1], $0x80, $0x38;
	[tilespmem:$0x2BE0] =	vst v63  }
0xc5: {  	_ =	swait.ge [sflag:s5], $0x80  }
0xc6: {  	[sflag:s5] =	ssyncset.done $0x0  }
0xc7: {  	s31 =	rddreg [dreg:$0x8];
	[sflag:s5] =	ssyncadd.s32 $0xFFFFFF80  }
0xc8: {  	[spmem:s31] =	stream.linear.scatter [tilespmem:s6], [sflag:$0x1], $0x80, $0x38;
	[tilespmem:$0x2BE0] =	vst v63  }
0xc9: {  	_ =	swait.ge [sflag:s5], $0x80  }
0xca: {  	[sflag:s5] =	ssyncset.done $0x0  }
0xcb: {  	s31 =	rddreg [dreg:$0x4];
	[sflag:s5] =	ssyncadd.s32 $0xFFFFFF80  }
0xcc: {  	[tilespmem:s2], [sflag:$0x1] =	stream.linear.gather [hbm4b:s31+s2], $0x2760, $0x38;
	[tilespmem:$0x2BE0] =	vst v63  }
0xcd: {  	_ =	swait.ge [sflag:s5], $0x2760  }
0xce: {  	[sflag:s5] =	ssyncset.done $0x0  }
0xcf: {  	[sflag:s5] =	ssyncadd.s32 $0xFFFFD8A0  }
0xd0: {  	[bflag:$0x0] =	sbarrier.arrive $0xFFFF  }
0xd1: {  	[spmem:s1] =	stream.indirect.scatter.add.f32 [tilespmem:s6], [sflag:$0x1], $0x1, s2, s7, $0xb8;
	[tilespmem:$0x2BE0] =	vst v63  }
0xd2: {  	_ =	swait.ge [sflag:s5], $0x1F4  }
0xd3: {  	[sflag:s5] =	ssyncset.done $0x0  }
0xd4: {  	s31 =	rddreg [dreg:$0x9];
	[sflag:s5] =	ssyncadd.s32 $0xFFFFFE0C  }
0xd5: {  	[spmem:s1] =	stream.indirect.scatter.add.f32 [tilespmem:s6], [sflag:$0x1], $0x1, s31, s7, $0xb8;
	[tilespmem:$0x2BE0] =	vst v63  }
0xd6: {  	_ =	swait.ge [sflag:s5], $0x1F4  }
0xd7: {  	[sflag:s5] =	ssyncset.done $0x0  }
0xd8: {  	[sflag:s5] =	ssyncadd.s32 $0xFFFFFE0C  }
0xd9: {  	[spmem:s1] =	stream.indirect.scatter.add.f32 [tilespmem:s6], [sflag:$0x1], $0x1, s8, s7, $0xb8;
	[tilespmem:$0x2BE0] =	vst v63  }
0xda: {  	_ =	swait.ge [sflag:s5], $0x1F4  }
0xdb: {  	[sflag:s5] =	ssyncset.done $0x0  }
0xdc: {  	[sflag:s5] =	ssyncadd.s32 $0xFFFFFE0C  }
0xdd: {  	[spmem:s1] =	stream.indirect.scatter.add.f32 [tilespmem:s6], [sflag:$0x1], $0x1, s9, s7, $0xb8;
	[tilespmem:$0x2BE0] =	vst v63  }
0xde: {  	_ =	swait.ge [sflag:s5], $0x1F4  }
0xdf: {  	[sflag:s5] =	ssyncset.done $0x0  }
0xe0: {  	[sflag:s5] =	ssyncadd.s32 $0xFFFFFE0C  }
0xe1: {  	[spmem:s1] =	stream.indirect.scatter.add.f32 [tilespmem:s6], [sflag:$0x1], $0x1, s10, s7, $0xb8;
	[tilespmem:$0x2BE0] =	vst v63  }
0xe2: {  	_ =	swait.ge [sflag:s5], $0x1F4  }
0xe3: {  	[sflag:s5] =	ssyncset.done $0x0  }
0xe4: {  	[sflag:s5] =	ssyncadd.s32 $0xFFFFFE0C  }
0xe5: {  	[spmem:s1] =	stream.indirect.scatter.add.f32 [tilespmem:s6], [sflag:$0x1], $0x1, s11, s7, $0xb8;
	[tilespmem:$0x2BE0] =	vst v63  }
0xe6: {  	_ =	swait.ge [sflag:s5], $0x1F4  }
0xe7: {  	[sflag:s5] =	ssyncset.done $0x0  }
0xe8: {  	[sflag:s5] =	ssyncadd.s32 $0xFFFFFE0C  }
0xe9: {  	[spmem:s1] =	stream.indirect.scatter.add.f32 [tilespmem:s6], [sflag:$0x1], $0x1, s12, s7, $0xb8;
	[tilespmem:$0x2BE0] =	vst v63  }
0xea: {  	_ =	swait.ge [sflag:s5], $0x1F4  }
0xeb: {  	[sflag:s5] =	ssyncset.done $0x0  }
0xec: {  	[sflag:s5] =	ssyncadd.s32 $0xFFFFFE0C  }
0xed: {  	[spmem:s1] =	stream.indirect.scatter.add.f32 [tilespmem:s6], [sflag:$0x1], $0x1, s13, s7, $0xb8;
	[tilespmem:$0x2BE0] =	vst v63  }
0xee: {  	_ =	swait.ge [sflag:s5], $0x1F4  }
0xef: {  	[sflag:s5] =	ssyncset.done $0x0  }
0xf0: {  	[sflag:s5] =	ssyncadd.s32 $0xFFFFFE0C  }
0xf1: {  	[spmem:s1] =	stream.indirect.scatter.add.f32 [tilespmem:s6], [sflag:$0x1], $0x1, s14, s7, $0xb8;
	[tilespmem:$0x2BE0] =	vst v63  }
0xf2: {  	_ =	swait.ge [sflag:s5], $0x1F4  }
0xf3: {  	[sflag:s5] =	ssyncset.done $0x0  }
0xf4: {  	[sflag:s5] =	ssyncadd.s32 $0xFFFFFE0C  }
0xf5: {  	[spmem:s1] =	stream.indirect.scatter.add.f32 [tilespmem:s6], [sflag:$0x1], $0x1, s15, s7, $0xb8;
	[tilespmem:$0x2BE0] =	vst v63  }
0xf6: {  	_ =	swait.ge [sflag:s5], $0x1F4  }
0xf7: {  	[sflag:s5] =	ssyncset.done $0x0  }
0xf8: {  	[sflag:s5] =	ssyncadd.s32 $0xFFFFFE0C  }
0xf9: {  	[spmem:s1] =	stream.indirect.scatter.add.f32 [tilespmem:s6], [sflag:$0x1], $0x1, s16, s7, $0xb8;
	[tilespmem:$0x2BE0] =	vst v63  }
0xfa: {  	_ =	swait.ge [sflag:s5], $0x1F4  }
0xfb: {  	[sflag:s5] =	ssyncset.done $0x0  }
0xfc: {  	[sflag:s5] =	ssyncadd.s32 $0xFFFFFE0C  }
0xfd: {  	[spmem:s1] =	stream.indirect.scatter.add.f32 [tilespmem:s6], [sflag:$0x1], $0x1, s17, s7, $0xb8;
	[tilespmem:$0x2BE0] =	vst v63  }
0xfe: {  	_ =	swait.ge [sflag:s5], $0x1F4  }
0xff: {  	[sflag:s5] =	ssyncset.done $0x0  }
0x100: {  	[sflag:s5] =	ssyncadd.s32 $0xFFFFFE0C  }
0x101: {  	[spmem:s1] =	stream.indirect.scatter.add.f32 [tilespmem:s6], [sflag:$0x1], $0x1, s18, s7, $0xb8;
	[tilespmem:$0x2BE0] =	vst v63  }
0x102: {  	_ =	swait.ge [sflag:s5], $0x1F4  }
0x103: {  	[sflag:s5] =	ssyncset.done $0x0  }
0x104: {  	[sflag:s5] =	ssyncadd.s32 $0xFFFFFE0C  }
0x105: {  	[spmem:s1] =	stream.indirect.scatter.add.f32 [tilespmem:s6], [sflag:$0x1], $0x1, s19, s7, $0xb8;
	[tilespmem:$0x2BE0] =	vst v63  }
0x106: {  	_ =	swait.ge [sflag:s5], $0x1F4  }
0x107: {  	[sflag:s5] =	ssyncset.done $0x0  }
0x108: {  	[sflag:s5] =	ssyncadd.s32 $0xFFFFFE0C  }
0x109: {  	[spmem:s1] =	stream.indirect.scatter.add.f32 [tilespmem:s6], [sflag:$0x1], $0x1, s20, s7, $0xb8;
	[tilespmem:$0x2BE0] =	vst v63  }
0x10a: {  	_ =	swait.ge [sflag:s5], $0x1F4  }
0x10b: {  	[sflag:s5] =	ssyncset.done $0x0  }
0x10c: {  	[sflag:s5] =	ssyncadd.s32 $0xFFFFFE0C  }
0x10d: {  	[spmem:s1] =	stream.indirect.scatter.add.f32 [tilespmem:s6], [sflag:$0x1], $0x1, s21, s7, $0xb8;
	[tilespmem:$0x2BE0] =	vst v63  }
0x10e: {  	_ =	swait.ge [sflag:s5], $0x1F4  }
0x10f: {  	[sflag:s5] =	ssyncset.done $0x0  }
0x110: {  	[sflag:s5] =	ssyncadd.s32 $0xFFFFFE0C  }
0x111: {  	[spmem:s1] =	stream.indirect.scatter.add.f32 [tilespmem:s6], [sflag:$0x1], $0x1, s22, s7, $0xb8;
	[tilespmem:$0x2BE0] =	vst v63  }
0x112: {  	_ =	swait.ge [sflag:s5], $0x1F4  }
0x113: {  	[sflag:s5] =	ssyncset.done $0x0  }
0x114: {  	[sflag:s5] =	ssyncadd.s32 $0xFFFFFE0C  }
0x115: {  	[spmem:s1] =	stream.indirect.scatter.add.f32 [tilespmem:s6], [sflag:$0x1], $0x1, s23, s7, $0xb8;
	[tilespmem:$0x2BE0] =	vst v63  }
0x116: {  	_ =	swait.ge [sflag:s5], $0x1F4  }
0x117: {  	[sflag:s5] =	ssyncset.done $0x0  }
0x118: {  	[sflag:s5] =	ssyncadd.s32 $0xFFFFFE0C  }
0x119: {  	[spmem:s1] =	stream.indirect.scatter.add.f32 [tilespmem:s6], [sflag:$0x1], $0x1, s24, s7, $0xb8;
	[tilespmem:$0x2BE0] =	vst v63  }
0x11a: {  	_ =	swait.ge [sflag:s5], $0x1F4  }
0x11b: {  	[sflag:s5] =	ssyncset.done $0x0  }
0x11c: {  	[sflag:s5] =	ssyncadd.s32 $0xFFFFFE0C  }
0x11d: {  	[spmem:s1] =	stream.indirect.scatter.add.f32 [tilespmem:s6], [sflag:$0x1], $0x1, s25, s7, $0xb8;
	[tilespmem:$0x2BE0] =	vst v63  }
0x11e: {  	_ =	swait.ge [sflag:s5], $0x1F4  }
0x11f: {  	p0 =	sne.s32 s30, $0x1;
	[sflag:s5] =	ssyncset.done $0x0  }
.Ltmp1:
0x120: {  	[sflag:s5] =	ssyncadd.s32 $0xFFFFFE0C;
	(pc) =	sbr.rel @p0 .LBB2_1-.Ltmp1, $4  }
0x121: {  	[bflag:$0x0] =	sbarrier.arrive $0xFFFF  }
0x122: {  	[hbm:s26], [sflag:s29] =	dma.local [spmem:s28], $0x50  }
0x123: {  	_ =	swait.ge [sflag:s5], $0x50  }
0x124: {  	s30 =	sadd.s32 $0xFFFFFFFF, s30;
	[sflag:s5] =	ssyncset.done $0x0  }
.LBB2_2:
0x125: {  	[sflag:s5] =	ssyncadd.s32 $0xFFFFFFB0  }
0x126: {  	_ =	sfence.sel $0x180000  }
0x127: {  	[bflag:$0x0] =	sbarrier.arrive $0xFFFF  }
0x128: {  	p0 =	sne.s32 s3, $0x0;
	_ =	strace $0x90000047  }
0x129: {  	s0 =	sadd.s32 @!p0 $0x100000, s0;
	[bflag:$0x2] =	sbarrier.arrive $0xFFFF  }
0x12a: {  	[sflag:s0] =	ssyncadd.tile.s32 @!p0 $0x1;
	_ =	shalt  }
.Lfunc_end2:
_tile_overlayer_lowered:
.L_overlay_start_2:
0x12b: {  	(tag) =	ssettag $0x2  }
0x12c: {  	s0 =	rddreg [dreg:$0x0];
	s2 =	stileid.u32  }
0x12d: {  	s1 =	rddreg [dreg:$0x1];
	p0 =	sne.s32 s2, $0x0  }
0x12e: {  	s3 =	rddreg [dreg:$0x2];
	[bflag:$0x3] =	sbarrier.arrive $0xFFFF;
	s2 =	simm.s32 @!p0 $0x1C01  }
0x12f: {  	[timem:s3], [sflag:s2] =	dma.local @!p0 [hbm:s0], s1  }
0x130: {  	s0 =	simm.s32 @!p0 $0x1  }
0x131: {  	_ =	swait.ge @!p0 [sflag:s0], s1  }
0x132: {  	s1 =	ssub.s32 @!p0 $0x0, s1;
	[sflag:s0] =	ssyncset.done @!p0 $0x0  }
0x133: {  	[sflag:s0] =	ssyncadd.s32 @!p0 s1  }
0x134: {  	[bflag:$0x3] =	sbarrier.arrive $0xFFFF  }
0x135: {  	_ =	shalt  }

</sc_bundles>
